<compile_context>
chip_gen: v7x
topology: tpu7x:2x2x1
jax: 0.10.2.dev20260603
libtpu: 0.0.44.dev20260713+nightly
codegen_flags: <defaults>
</compile_context>

<pallas_src>
import functools

import jax
import jax.numpy as jnp
from jax import lax
from jax.experimental import pallas as pl
from jax.experimental.pallas import tpu as pltpu
from jax.experimental.pallas import tpu_sc as plsc

NC = 2
NS = 16
NW = NC * NS

CHUNK = 128
K = 8

V = 1000000
D = 64
NBLK = V // CHUNK


@jax.jit
def _sc_relayout(wt, wrem_pairs):
    mesh = plsc.VectorSubcoreMesh(
        core_axis_name="c", subcore_axis_name="s", num_cores=NC, num_subcores=NS
    )
    @functools.partial(
        pl.kernel,
        out_type=jax.ShapeDtypeStruct((V // 2, 2 * D), jnp.float32),
        mesh=mesh,
        compiler_params=pltpu.CompilerParams(
            use_tc_tiling_on_sc=True, needs_layout_passes=False
        ),
        scratch_types=[
            pltpu.VMEM((2, D, CHUNK), jnp.float32),
            pltpu.VMEM((2, D, CHUNK), jnp.float32),
            pltpu.VMEM((D * (CHUNK + 1),), jnp.float32),
            pltpu.SemaphoreType.DMA((2,)),
            pltpu.SemaphoreType.DMA((2,)),
        ],
    )
    def k(wt_hbm, wrem_hbm, tp_hbm, vbufs, tbufs, sbuf, gsem, wsem):
        wid = lax.axis_index("s") * NC + lax.axis_index("c")
        lane = lax.iota(jnp.int32, 16)
        SKEW = CHUNK + 1
        lane_skew = lane * SKEW
        n_i = jnp.int32(NBLK // NW) + (wid < NBLK % NW).astype(jnp.int32)

        pltpu.async_copy(
            wt_hbm.at[:, pl.ds(wid * CHUNK, CHUNK)], vbufs.at[0], gsem.at[0]
        )

        def transpose_block(vbuf, tbuf):
            @plsc.parallel_loop(0, (CHUNK // 16) * D, unroll=16)
            def _(t):
                q = lax.shift_right_logical(t, 6)
                c = t & (D - 1)
                vec = vbuf[c, pl.ds(q * 16, 16)]
                plsc.store_scatter(sbuf, [lane + (c * SKEW + q * 16)], vec)

            @plsc.parallel_loop(0, 2 * (D // 16) * D, unroll=16)
            def _(t):
                j = lax.shift_right_logical(t, 3)
                h = (t >> 2) & 1
                c0 = lax.shift_left(t & 3, 4)
                vec = plsc.load_gather(
                    sbuf, [lane_skew + (c0 * SKEW + 2 * j + h)]
                )
                tbuf[j, pl.ds(h * D + c0, 16)] = vec

        def step(i, b):
            m = wid + i * NW

            @pl.when(i + 1 < n_i)
            def _():
                pltpu.async_copy(
                    wt_hbm.at[:, pl.ds((m + NW) * CHUNK, CHUNK)],
                    vbufs.at[1 - b],
                    gsem.at[1 - b],
                )

            pltpu.make_async_copy(
                wt_hbm.at[:, pl.ds(0, CHUNK)], vbufs.at[b], gsem.at[b]
            ).wait()

            @pl.when(i >= 2)
            def _():
                pltpu.make_async_copy(
                    tbufs.at[b], tp_hbm.at[pl.ds(0, D)], wsem.at[b]
                ).wait()

            transpose_block(vbufs.at[b], tbufs.at[b])
            pltpu.async_copy(tbufs.at[b], tp_hbm.at[pl.ds(m * D, D)], wsem.at[b])

        def grp(g, carry):
            step(2 * g, 0)
            step(2 * g + 1, 1)
            return carry

        lax.fori_loop(0, jnp.int32(NBLK // NW // 2), grp, 0)

        @pl.when(wid < NBLK % NW)
        def _():
            step(jnp.int32(NBLK // NW), 0)

        for b in range(2):
            pltpu.make_async_copy(
                tbufs.at[b], tp_hbm.at[pl.ds(0, D)], wsem.at[b]
            ).wait()

        @pl.when(wid == 0)
        def _():
            pltpu.sync_copy(wrem_hbm, tbufs.at[0].at[pl.ds(0, D // 2)])
            pltpu.sync_copy(
                tbufs.at[0].at[pl.ds(0, D // 2)], tp_hbm.at[pl.ds(NBLK * D, D // 2)]
            )

    return k(wt, wrem_pairs)


@functools.partial(jax.jit, static_argnums=(2,))
def _sc_gather(idx_flat, table, n_rows):
    per_w = n_rows // NW
    n_chunks = per_w // CHUNK
    n_grp = n_chunks // K
    mesh = plsc.VectorSubcoreMesh(
        core_axis_name="c", subcore_axis_name="s", num_cores=NC, num_subcores=NS
    )

    @functools.partial(
        pl.kernel,
        out_type=jax.ShapeDtypeStruct((n_rows, 2 * D), jnp.float32),
        mesh=mesh,
        compiler_params=pltpu.CompilerParams(use_tc_tiling_on_sc=False),
        scratch_types=[
            pltpu.VMEM((per_w,), jnp.int32),
            pltpu.VMEM((K, CHUNK, D), jnp.float32),
            pltpu.SemaphoreType.DMA((K,)),
        ],
    )
    def k(idx_hbm, table_hbm, out_hbm, idx_v, bufs, gsem):
        wid = lax.axis_index("s") * NC + lax.axis_index("c")
        base = wid * per_w
        pltpu.sync_copy(idx_hbm.at[pl.ds(base, per_w)], idx_v)

        def gather(j, b):
            pltpu.async_copy(
                table_hbm.at[idx_v.at[pl.ds(j * CHUNK, CHUNK)]],
                bufs.at[b],
                gsem.at[b],
            )

        for b in range(K):
            gather(b, b)

        def grp(g, carry):
            for b in range(K):
                j = g * K + b
                pltpu.make_async_copy(
                    table_hbm.at[idx_v.at[pl.ds(0, CHUNK)]], bufs.at[b], gsem.at[b]
                ).wait()
                pltpu.sync_copy(
                    bufs.at[b],
                    out_hbm.at[pl.ds(base + j * CHUNK, CHUNK), pl.ds(0, D)],
                )
                gather(jnp.minimum(j + K, n_chunks - 1), b)
            return carry

        lax.fori_loop(0, n_grp, grp, 0)
        for b in range(K):
            pltpu.make_async_copy(
                table_hbm.at[idx_v.at[pl.ds(0, CHUNK)]], bufs.at[b], gsem.at[b]
            ).wait()

    return k(idx_flat, table)


def kernel(inputs, weight):
    b, s = inputs.shape
    v, d = weight.shape
    idx_flat = inputs.reshape(-1).astype(jnp.int32)
    wrem_pairs = weight[NBLK * CHUNK:].reshape(D // 2, 2 * D)
    table = _sc_relayout(weight.T, wrem_pairs).reshape(v, d)
    out = _sc_gather(idx_flat, table, b * s)
    return out[:, :d].reshape(b, s, d)

# --- scband reference (transcript-rebuilt; emitter-appended) ---
"""Pipeline reference for scband-tfshared-embeddings-55070070669905 (READ-ONLY COPY).

The authoritative reference and input builder live on the scoring server;
editing this copy changes nothing except your own understanding.
"""

import jax, jax.numpy as jnp
import numpy as np

VOCAB_SIZE = 1000000
HIDDEN_SIZE = 64


def setup_inputs(seed: int = 0) -> dict:
    key = jax.random.key(seed)
    k_idx, k_w = jax.random.split(key)
    inputs = jax.random.randint(k_idx, (4096, 200), 0, VOCAB_SIZE, dtype=jnp.int64 if jax.config.read('jax_enable_x64') else jnp.int32)
    # initializer_range defaults to hidden_size ** -0.5 (truncated normal); plain normal scaled is a faithful stand-in
    initializer_range = HIDDEN_SIZE ** (-0.5)
    weight = jax.random.normal(k_w, (VOCAB_SIZE, HIDDEN_SIZE), dtype=jnp.float32) * initializer_range
    return {"inputs": inputs, "weight": weight}


def reference(inputs, weight):
    # mode == 'embedding': tf.gather(self.weight, input_ids)
    return jnp.take(weight, inputs, axis=0)

if __name__ == "__main__":
    import jax
    _d = setup_inputs()
    print(jax.jit(kernel)(*tuple(_d.values())))

</pallas_src>

<mosaic_0001>
#map = affine_map<(d0, d1) -> (0, 0)>
module attributes {stable_mosaic.version = 14 : i64} {
  func.func @k(%arg0: i32, %arg1: i32, %arg2: memref<64x1000000xf32, #tpu.memory_space<hbm>>, %arg3: memref<32x128xf32, #tpu.memory_space<hbm>>, %arg4: memref<500000x128xf32, #tpu.memory_space<hbm>>, %arg5: memref<2x64x128xf32, #tpu.memory_space<vmem>>, %arg6: memref<2x64x128xf32, #tpu.memory_space<vmem>>, %arg7: memref<8256xf32, #tpu.memory_space<vmem>>, %arg8: memref<2x!tpu.dma_semaphore, #tpu.memory_space<semaphore_mem>>, %arg9: memref<2x!tpu.dma_semaphore, #tpu.memory_space<semaphore_mem>>) attributes {dimension_semantics = [#tpu.dimension_semantics<core_parallel>, #tpu.dimension_semantics<subcore_parallel>], iteration_bounds = array<i64: 2, 16>, scalar_prefetch = 0 : i64, scratch_operands = 5 : i64, tpu.core_type = #tpu.core_type<sc_vector_subcore>, window_params = [{transform_indices = #map}, {transform_indices = #map}, {transform_indices = #map}]} {
    %mul3A = arith.constant 2 : i32
    %mul3A_0 = arith.muli %arg1, %mul3A : i32
    %add3A = arith.addi %mul3A_0, %arg0 : i32
    %iota3A = tpu.iota {dimensions = array<i32: 0>} : vector<16xi32>
    %mul3A_1 = arith.constant 129 : i32
    %mul3A_2 = vector.broadcast %mul3A_1 : i32 to vector<16xi32>
    %mul3A_3 = arith.muli %iota3A, %mul3A_2 : vector<16xi32>
    %lt3A = arith.constant 4 : i32
    %lt3A_4 = arith.cmpi slt, %add3A, %lt3A : i32
    %convert_element_type3A = arith.extui %lt3A_4 : i1 to i32
    %add3A_5 = arith.constant 244 : i32
    %add3A_6 = arith.addi %add3A_5, %convert_element_type3A : i32
    %mul3A_7 = arith.constant 128 : i32
    %mul3A_8 = arith.muli %add3A, %mul3A_7 : i32
    %dma_start3A = arith.constant 0 : i32
    %dma_start3A_9 = arith.constant 0 : i32
    %dma_start3A_10 = arith.constant 0 : i32
    %dma_start3A_11 = arith.constant 0 : i32
    %dma_start3A_12 = tpu.memref_slice %arg5[%dma_start3A, %dma_start3A_10, %dma_start3A_11] : memref<2x64x128xf32, #tpu.memory_space<vmem>> -> memref<1x64x128xf32, #tpu.memory_space<vmem>>
    %dma_start3A_13 = tpu.memref_squeeze %dma_start3A_12 : memref<1x64x128xf32, #tpu.memory_space<vmem>> -> memref<64x128xf32, #tpu.memory_space<vmem>>
    %dma_start3A_14 = arith.constant 0 : i32
    %dma_start3A_15 = tpu.memref_slice %arg2[%dma_start3A_14, %mul3A_8] : memref<64x1000000xf32, #tpu.memory_space<hbm>> -> memref<64x128xf32, #tpu.memory_space<hbm>>
    %dma_start3A_16 = tpu.memref_slice %arg8[%dma_start3A_9] : memref<2x!tpu.dma_semaphore, #tpu.memory_space<semaphore_mem>> -> memref<1x!tpu.dma_semaphore, #tpu.memory_space<semaphore_mem>>
    %dma_start3A_17 = tpu.memref_squeeze %dma_start3A_16 : memref<1x!tpu.dma_semaphore, #tpu.memory_space<semaphore_mem>> -> memref<!tpu.dma_semaphore, #tpu.memory_space<semaphore_mem>>
    %dma_start3A_18 = arith.constant 0 : i32
    %dma_start3A_19 = arith.constant 0 : i32
    %dma_start3A_20 = tpu.memref_slice %arg5[%dma_start3A, %dma_start3A_18, %dma_start3A_19] : memref<2x64x128xf32, #tpu.memory_space<vmem>> -> memref<1x64x128xf32, #tpu.memory_space<vmem>>
    %dma_start3A_21 = tpu.memref_squeeze %dma_start3A_20 : memref<1x64x128xf32, #tpu.memory_space<vmem>> -> memref<64x128xf32, #tpu.memory_space<vmem>>
    %dma_start3A_22 = arith.constant 0 : i32
    %dma_start3A_23 = tpu.memref_slice %arg2[%dma_start3A_22, %mul3A_8] : memref<64x1000000xf32, #tpu.memory_space<hbm>> -> memref<64x128xf32, #tpu.memory_space<hbm>>
    tpu.enqueue_dma source(%dma_start3A_23 : memref<64x128xf32, #tpu.memory_space<hbm>>) target(%dma_start3A_21 : memref<64x128xf32, #tpu.memory_space<vmem>>) target_semaphore(%dma_start3A_17 : memref<!tpu.dma_semaphore, #tpu.memory_space<semaphore_mem>>)
    %while3A = arith.constant 0 : i32
    %while3A_24 = arith.constant 0 : i32
    %while3A_25 = arith.constant 122 : i32
    %while3A_26 = arith.subi %while3A_25, %while3A_24 : i32
    %while3A_27 = arith.addi %while3A_24, %while3A_26 : i32
    %while3A_28 = arith.constant 1 : i32
    %while3A_29 = arith.divsi %while3A_26, %while3A_28 : i32
    %while3A_30 = arith.muli %while3A_29, %while3A_28 : i32
    %while3A_31 = arith.addi %while3A_24, %while3A_30 : i32
    %while3A_32 = arith.constant 1 : i32
    scf.for %while3A_77 = %while3A_24 to %while3A_31 step %while3A_32  : i32 {
      %mul3A_78 = arith.constant 2 : i32
      %mul3A_79 = arith.muli %mul3A_78, %while3A_77 : i32
      %mul3A_80 = arith.constant 32 : i32
      %mul3A_81 = arith.muli %mul3A_79, %mul3A_80 : i32
      %add3A_82 = arith.addi %add3A, %mul3A_81 : i32
      %add3A_83 = arith.constant 1 : i32
      %add3A_84 = arith.addi %mul3A_79, %add3A_83 : i32
      %lt3A_85 = arith.cmpi slt, %add3A_84, %add3A_6 : i32
      %convert_element_type3A_86 = arith.extui %lt3A_85 : i1 to i32
      %cond3A_87 = arith.constant 0 : i32
      %cond3A_88 = arith.cmpi ne, %convert_element_type3A_86, %cond3A_87 : i32
      scf.if %cond3A_88 {
        %add3A_198 = arith.constant 32 : i32
        %add3A_199 = arith.addi %add3A_82, %add3A_198 : i32
        %mul3A_200 = arith.constant 128 : i32
        %mul3A_201 = arith.muli %add3A_199, %mul3A_200 : i32
        %dma_start3A_202 = arith.constant 1 : i32
        %dma_start3A_203 = arith.constant 1 : i32
        %dma_start3A_204 = arith.constant 0 : i32
        %dma_start3A_205 = arith.constant 0 : i32
        %dma_start3A_206 = tpu.memref_slice %arg5[%dma_start3A_202, %dma_start3A_204, %dma_start3A_205] : memref<2x64x128xf32, #tpu.memory_space<vmem>> -> memref<1x64x128xf32, #tpu.memory_space<vmem>>
        %dma_start3A_207 = tpu.memref_squeeze %dma_start3A_206 : memref<1x64x128xf32, #tpu.memory_space<vmem>> -> memref<64x128xf32, #tpu.memory_space<vmem>>
        %dma_start3A_208 = arith.constant 0 : i32
        %dma_start3A_209 = tpu.memref_slice %arg2[%dma_start3A_208, %mul3A_201] : memref<64x1000000xf32, #tpu.memory_space<hbm>> -> memref<64x128xf32, #tpu.memory_space<hbm>>
        %dma_start3A_210 = tpu.memref_slice %arg8[%dma_start3A_203] : memref<2x!tpu.dma_semaphore, #tpu.memory_space<semaphore_mem>> -> memref<1x!tpu.dma_semaphore, #tpu.memory_space<semaphore_mem>>
        %dma_start3A_211 = tpu.memref_squeeze %dma_start3A_210 : memref<1x!tpu.dma_semaphore, #tpu.memory_space<semaphore_mem>> -> memref<!tpu.dma_semaphore, #tpu.memory_space<semaphore_mem>>
        %dma_start3A_212 = arith.constant 0 : i32
        %dma_start3A_213 = arith.constant 0 : i32
        %dma_start3A_214 = tpu.memref_slice %arg5[%dma_start3A_202, %dma_start3A_212, %dma_start3A_213] : memref<2x64x128xf32, #tpu.memory_space<vmem>> -> memref<1x64x128xf32, #tpu.memory_space<vmem>>
        %dma_start3A_215 = tpu.memref_squeeze %dma_start3A_214 : memref<1x64x128xf32, #tpu.memory_space<vmem>> -> memref<64x128xf32, #tpu.memory_space<vmem>>
        %dma_start3A_216 = arith.constant 0 : i32
        %dma_start3A_217 = tpu.memref_slice %arg2[%dma_start3A_216, %mul3A_201] : memref<64x1000000xf32, #tpu.memory_space<hbm>> -> memref<64x128xf32, #tpu.memory_space<hbm>>
        tpu.enqueue_dma source(%dma_start3A_217 : memref<64x128xf32, #tpu.memory_space<hbm>>) target(%dma_start3A_215 : memref<64x128xf32, #tpu.memory_space<vmem>>) target_semaphore(%dma_start3A_211 : memref<!tpu.dma_semaphore, #tpu.memory_space<semaphore_mem>>)
      } else {
      }
      %dma_wait3A_89 = arith.constant 0 : i32
      %dma_wait3A_90 = arith.constant 0 : i32
      %dma_wait3A_91 = arith.constant 0 : i32
      %dma_wait3A_92 = arith.constant 0 : i32
      %dma_wait3A_93 = tpu.memref_slice %arg5[%dma_wait3A_89, %dma_wait3A_91, %dma_wait3A_92] : memref<2x64x128xf32, #tpu.memory_space<vmem>> -> memref<1x64x128xf32, #tpu.memory_space<vmem>>
      %dma_wait3A_94 = tpu.memref_squeeze %dma_wait3A_93 : memref<1x64x128xf32, #tpu.memory_space<vmem>> -> memref<64x128xf32, #tpu.memory_space<vmem>>
      %dma_wait3A_95 = arith.constant 0 : i32
      %dma_wait3A_96 = arith.constant 0 : i32
      %dma_wait3A_97 = tpu.memref_slice %arg2[%dma_wait3A_95, %dma_wait3A_96] : memref<64x1000000xf32, #tpu.memory_space<hbm>> -> memref<64x128xf32, #tpu.memory_space<hbm>>
      %dma_wait3A_98 = tpu.memref_slice %arg8[%dma_wait3A_90] : memref<2x!tpu.dma_semaphore, #tpu.memory_space<semaphore_mem>> -> memref<1x!tpu.dma_semaphore, #tpu.memory_space<semaphore_mem>>
      %dma_wait3A_99 = tpu.memref_squeeze %dma_wait3A_98 : memref<1x!tpu.dma_semaphore, #tpu.memory_space<semaphore_mem>> -> memref<!tpu.dma_semaphore, #tpu.memory_space<semaphore_mem>>
      %dma_wait3A_100 = arith.constant 0 : i32
      %dma_wait3A_101 = arith.constant 0 : i32
      %dma_wait3A_102 = tpu.memref_slice %arg5[%dma_wait3A_89, %dma_wait3A_100, %dma_wait3A_101] : memref<2x64x128xf32, #tpu.memory_space<vmem>> -> memref<1x64x128xf32, #tpu.memory_space<vmem>>
      %dma_wait3A_103 = tpu.memref_squeeze %dma_wait3A_102 : memref<1x64x128xf32, #tpu.memory_space<vmem>> -> memref<64x128xf32, #tpu.memory_space<vmem>>
      %dma_wait3A_104 = arith.constant 0 : i32
      %dma_wait3A_105 = arith.constant 0 : i32
      %dma_wait3A_106 = tpu.memref_slice %arg2[%dma_wait3A_104, %dma_wait3A_105] : memref<64x1000000xf32, #tpu.memory_space<hbm>> -> memref<64x128xf32, #tpu.memory_space<hbm>>
      tpu.wait_dma2 semaphore(%dma_wait3A_99 : memref<!tpu.dma_semaphore, #tpu.memory_space<semaphore_mem>>) src(%dma_wait3A_106 : memref<64x128xf32, #tpu.memory_space<hbm>>) dst(%dma_wait3A_103 : memref<64x128xf32, #tpu.memory_space<vmem>>)
      %ge3A = arith.constant 2 : i32
      %ge3A_107 = arith.cmpi sge, %mul3A_79, %ge3A : i32
      %convert_element_type3A_108 = arith.extui %ge3A_107 : i1 to i32
      %cond3A_109 = arith.constant 0 : i32
      %cond3A_110 = arith.cmpi ne, %convert_element_type3A_108, %cond3A_109 : i32
      scf.if %cond3A_110 {
        %dma_wait3A_198 = arith.constant 0 : i32
        %dma_wait3A_199 = arith.constant 0 : i32
        %dma_wait3A_200 = arith.constant 0 : i32
        %dma_wait3A_201 = arith.constant 0 : i32
        %dma_wait3A_202 = tpu.memref_slice %arg6[%dma_wait3A_198, %dma_wait3A_200, %dma_wait3A_201] : memref<2x64x128xf32, #tpu.memory_space<vmem>> -> memref<1x64x128xf32, #tpu.memory_space<vmem>>
        %dma_wait3A_203 = tpu.memref_squeeze %dma_wait3A_202 : memref<1x64x128xf32, #tpu.memory_space<vmem>> -> memref<64x128xf32, #tpu.memory_space<vmem>>
        %dma_wait3A_204 = arith.constant 0 : i32
        %dma_wait3A_205 = arith.constant 0 : i32
        %dma_wait3A_206 = tpu.memref_slice %arg4[%dma_wait3A_204, %dma_wait3A_205] : memref<500000x128xf32, #tpu.memory_space<hbm>> -> memref<64x128xf32, #tpu.memory_space<hbm>>
        %dma_wait3A_207 = tpu.memref_slice %arg9[%dma_wait3A_199] : memref<2x!tpu.dma_semaphore, #tpu.memory_space<semaphore_mem>> -> memref<1x!tpu.dma_semaphore, #tpu.memory_space<semaphore_mem>>
        %dma_wait3A_208 = tpu.memref_squeeze %dma_wait3A_207 : memref<1x!tpu.dma_semaphore, #tpu.memory_space<semaphore_mem>> -> memref<!tpu.dma_semaphore, #tpu.memory_space<semaphore_mem>>
        %dma_wait3A_209 = arith.constant 0 : i32
        %dma_wait3A_210 = arith.constant 0 : i32
        %dma_wait3A_211 = tpu.memref_slice %arg4[%dma_wait3A_209, %dma_wait3A_210] : memref<500000x128xf32, #tpu.memory_space<hbm>> -> memref<64x128xf32, #tpu.memory_space<hbm>>
        %dma_wait3A_212 = arith.constant 0 : i32
        %dma_wait3A_213 = arith.constant 0 : i32
        %dma_wait3A_214 = tpu.memref_slice %arg6[%dma_wait3A_198, %dma_wait3A_212, %dma_wait3A_213] : memref<2x64x128xf32, #tpu.memory_space<vmem>> -> memref<1x64x128xf32, #tpu.memory_space<vmem>>
        %dma_wait3A_215 = tpu.memref_squeeze %dma_wait3A_214 : memref<1x64x128xf32, #tpu.memory_space<vmem>> -> memref<64x128xf32, #tpu.memory_space<vmem>>
        tpu.wait_dma2 semaphore(%dma_wait3A_208 : memref<!tpu.dma_semaphore, #tpu.memory_space<semaphore_mem>>) src(%dma_wait3A_215 : memref<64x128xf32, #tpu.memory_space<vmem>>) dst(%dma_wait3A_211 : memref<64x128xf32, #tpu.memory_space<hbm>>)
      } else {
      }
      %parallel_loop3A = arith.constant 0 : i32
      %parallel_loop3A_111 = arith.constant 512 : i32
      %parallel_loop3A_112 = arith.constant 1 : i32
      %parallel_loop3A_113 = arith.constant 0 : i32
      scf.for %parallel_loop3A_198 = %parallel_loop3A to %parallel_loop3A_111 step %parallel_loop3A_112  : i32 {
        %parallel_loop3A_199 = arith.constant 6 : i32
        %parallel_loop3A_200 = arith.shrui %parallel_loop3A_198, %parallel_loop3A_199 : i32
        %parallel_loop3A_201 = arith.constant 63 : i32
        %parallel_loop3A_202 = arith.andi %parallel_loop3A_198, %parallel_loop3A_201 : i32
        %parallel_loop3A_203 = arith.constant 16 : i32
        %parallel_loop3A_204 = arith.muli %parallel_loop3A_200, %parallel_loop3A_203 : i32
        %parallel_loop3A_205 = arith.constant 0 : i32
        %parallel_loop3A_206 = arith.constant 0 : i32
        %parallel_loop3A_207 = tpu.memref_slice %arg5[%parallel_loop3A_113, %parallel_loop3A_205, %parallel_loop3A_206] : memref<2x64x128xf32, #tpu.memory_space<vmem>> -> memref<1x64x128xf32, #tpu.memory_space<vmem>>
        %parallel_loop3A_208 = tpu.memref_squeeze %parallel_loop3A_207 : memref<1x64x128xf32, #tpu.memory_space<vmem>> -> memref<64x128xf32, #tpu.memory_space<vmem>>
        %parallel_loop3A_209 = arith.index_cast %parallel_loop3A_202 : i32 to index
        %parallel_loop3A_210 = arith.index_cast %parallel_loop3A_204 : i32 to index
        %parallel_loop3A_211 = tpu.vector_load %parallel_loop3A_208[%parallel_loop3A_209, %parallel_loop3A_210] {strides = array<i32>} : memref<64x128xf32, #tpu.memory_space<vmem>>, vector<16xf32>,
        %parallel_loop3A_212 = arith.constant 129 : i32
        %parallel_loop3A_213 = arith.muli %parallel_loop3A_202, %parallel_loop3A_212 : i32
        %parallel_loop3A_214 = arith.constant 16 : i32
        %parallel_loop3A_215 = arith.muli %parallel_loop3A_200, %parallel_loop3A_214 : i32
        %parallel_loop3A_216 = arith.addi %parallel_loop3A_213, %parallel_loop3A_215 : i32
        %parallel_loop3A_217 = vector.broadcast %parallel_loop3A_216 : i32 to vector<16xi32>
        %parallel_loop3A_218 = arith.addi %iota3A, %parallel_loop3A_217 : vector<16xi32>
        tpu.vector_store_idx %arg7[%parallel_loop3A_218], %parallel_loop3A_211 : memref<8256xf32, #tpu.memory_space<vmem>>[vector<16xi32>], vector<16xf32>,
      } {sc.loop_unroll_factor = 16 : i64, sc.parallel_access}
      %parallel_loop3A_114 = arith.constant 0 : i32
      %parallel_loop3A_115 = arith.constant 512 : i32
      %parallel_loop3A_116 = arith.constant 1 : i32
      %parallel_loop3A_117 = arith.constant 0 : i32
      scf.for %parallel_loop3A_198 = %parallel_loop3A_114 to %parallel_loop3A_115 step %parallel_loop3A_116  : i32 {
        %parallel_loop3A_199 = arith.constant 3 : i32
        %parallel_loop3A_200 = arith.shrui %parallel_loop3A_198, %parallel_loop3A_199 : i32
        %parallel_loop3A_201 = arith.constant 2 : i32
        %parallel_loop3A_202 = arith.shrsi %parallel_loop3A_198, %parallel_loop3A_201 : i32
        %parallel_loop3A_203 = arith.constant 1 : i32
        %parallel_loop3A_204 = arith.andi %parallel_loop3A_202, %parallel_loop3A_203 : i32
        %parallel_loop3A_205 = arith.constant 3 : i32
        %parallel_loop3A_206 = arith.andi %parallel_loop3A_198, %parallel_loop3A_205 : i32
        %parallel_loop3A_207 = arith.constant 4 : i32
        %parallel_loop3A_208 = arith.shli %parallel_loop3A_206, %parallel_loop3A_207 : i32
        %parallel_loop3A_209 = arith.constant 129 : i32
        %parallel_loop3A_210 = arith.muli %parallel_loop3A_208, %parallel_loop3A_209 : i32
        %parallel_loop3A_211 = arith.constant 2 : i32
        %parallel_loop3A_212 = arith.muli %parallel_loop3A_211, %parallel_loop3A_200 : i32
        %parallel_loop3A_213 = arith.addi %parallel_loop3A_210, %parallel_loop3A_212 : i32
        %parallel_loop3A_214 = arith.addi %parallel_loop3A_213, %parallel_loop3A_204 : i32
        %parallel_loop3A_215 = vector.broadcast %parallel_loop3A_214 : i32 to vector<16xi32>
        %parallel_loop3A_216 = arith.addi %mul3A_3, %parallel_loop3A_215 : vector<16xi32>
        %parallel_loop3A_217 = tpu.vector_load_idx %arg7[%parallel_loop3A_216] : memref<8256xf32, #tpu.memory_space<vmem>>[vector<16xi32>], vector<16xf32>,
        %parallel_loop3A_218 = arith.constant 64 : i32
        %parallel_loop3A_219 = arith.muli %parallel_loop3A_204, %parallel_loop3A_218 : i32
        %parallel_loop3A_220 = arith.addi %parallel_loop3A_219, %parallel_loop3A_208 : i32
        %parallel_loop3A_221 = arith.constant 0 : i32
        %parallel_loop3A_222 = arith.constant 0 : i32
        %parallel_loop3A_223 = tpu.memref_slice %arg6[%parallel_loop3A_117, %parallel_loop3A_221, %parallel_loop3A_222] : memref<2x64x128xf32, #tpu.memory_space<vmem>> -> memref<1x64x128xf32, #tpu.memory_space<vmem>>
        %parallel_loop3A_224 = tpu.memref_squeeze %parallel_loop3A_223 : memref<1x64x128xf32, #tpu.memory_space<vmem>> -> memref<64x128xf32, #tpu.memory_space<vmem>>
        %parallel_loop3A_225 = arith.index_cast %parallel_loop3A_200 : i32 to index
        %parallel_loop3A_226 = arith.index_cast %parallel_loop3A_220 : i32 to index
        %parallel_loop3A_227 = tpu.vector_load %parallel_loop3A_224[%parallel_loop3A_225, %parallel_loop3A_226] {strides = array<i32>} : memref<64x128xf32, #tpu.memory_space<vmem>>, vector<16xf32>,
        tpu.vector_store %parallel_loop3A_224[%parallel_loop3A_225, %parallel_loop3A_226], %parallel_loop3A_217 {strides = array<i32>} : memref<64x128xf32, #tpu.memory_space<vmem>>, vector<16xf32>,
      } {sc.loop_unroll_factor = 16 : i64, sc.parallel_access}
      %mul3A_118 = arith.constant 64 : i32
      %mul3A_119 = arith.muli %add3A_82, %mul3A_118 : i32
      %dma_start3A_120 = arith.constant 0 : i32
      %dma_start3A_121 = arith.constant 0 : i32
      %dma_start3A_122 = arith.constant 0 : i32
      %dma_start3A_123 = arith.constant 0 : i32
      %dma_start3A_124 = tpu.memref_slice %arg6[%dma_start3A_120, %dma_start3A_122, %dma_start3A_123] : memref<2x64x128xf32, #tpu.memory_space<vmem>> -> memref<1x64x128xf32, #tpu.memory_space<vmem>>
      %dma_start3A_125 = tpu.memref_squeeze %dma_start3A_124 : memref<1x64x128xf32, #tpu.memory_space<vmem>> -> memref<64x128xf32, #tpu.memory_space<vmem>>
      %dma_start3A_126 = arith.constant 0 : i32
      %dma_start3A_127 = tpu.memref_slice %arg4[%mul3A_119, %dma_start3A_126] : memref<500000x128xf32, #tpu.memory_space<hbm>> -> memref<64x128xf32, #tpu.memory_space<hbm>>
      %dma_start3A_128 = tpu.memref_slice %arg9[%dma_start3A_121] : memref<2x!tpu.dma_semaphore, #tpu.memory_space<semaphore_mem>> -> memref<1x!tpu.dma_semaphore, #tpu.memory_space<semaphore_mem>>
      %dma_start3A_129 = tpu.memref_squeeze %dma_start3A_128 : memref<1x!tpu.dma_semaphore, #tpu.memory_space<semaphore_mem>> -> memref<!tpu.dma_semaphore, #tpu.memory_space<semaphore_mem>>
      %dma_start3A_130 = arith.constant 0 : i32
      %dma_start3A_131 = tpu.memref_slice %arg4[%mul3A_119, %dma_start3A_130] : memref<500000x128xf32, #tpu.memory_space<hbm>> -> memref<64x128xf32, #tpu.memory_space<hbm>>
      %dma_start3A_132 = arith.constant 0 : i32
      %dma_start3A_133 = arith.constant 0 : i32
      %dma_start3A_134 = tpu.memref_slice %arg6[%dma_start3A_120, %dma_start3A_132, %dma_start3A_133] : memref<2x64x128xf32, #tpu.memory_space<vmem>> -> memref<1x64x128xf32, #tpu.memory_space<vmem>>
      %dma_start3A_135 = tpu.memref_squeeze %dma_start3A_134 : memref<1x64x128xf32, #tpu.memory_space<vmem>> -> memref<64x128xf32, #tpu.memory_space<vmem>>
      tpu.enqueue_dma source(%dma_start3A_135 : memref<64x128xf32, #tpu.memory_space<vmem>>) target(%dma_start3A_131 : memref<64x128xf32, #tpu.memory_space<hbm>>) target_semaphore(%dma_start3A_129 : memref<!tpu.dma_semaphore, #tpu.memory_space<semaphore_mem>>)
      %mul3A_136 = arith.constant 2 : i32
      %mul3A_137 = arith.muli %mul3A_136, %while3A_77 : i32
      %add3A_138 = arith.constant 1 : i32
      %add3A_139 = arith.addi %mul3A_137, %add3A_138 : i32
      %mul3A_140 = arith.constant 32 : i32
      %mul3A_141 = arith.muli %add3A_139, %mul3A_140 : i32
      %add3A_142 = arith.addi %add3A, %mul3A_141 : i32
      %add3A_143 = arith.constant 1 : i32
      %add3A_144 = arith.addi %add3A_139, %add3A_143 : i32
      %lt3A_145 = arith.cmpi slt, %add3A_144, %add3A_6 : i32
      %convert_element_type3A_146 = arith.extui %lt3A_145 : i1 to i32
      %cond3A_147 = arith.constant 0 : i32
      %cond3A_148 = arith.cmpi ne, %convert_element_type3A_146, %cond3A_147 : i32
      scf.if %cond3A_148 {
        %add3A_198 = arith.constant 32 : i32
        %add3A_199 = arith.addi %add3A_142, %add3A_198 : i32
        %mul3A_200 = arith.constant 128 : i32
        %mul3A_201 = arith.muli %add3A_199, %mul3A_200 : i32
        %dma_start3A_202 = arith.constant 0 : i32
        %dma_start3A_203 = arith.constant 0 : i32
        %dma_start3A_204 = arith.constant 0 : i32
        %dma_start3A_205 = arith.constant 0 : i32
        %dma_start3A_206 = tpu.memref_slice %arg5[%dma_start3A_202, %dma_start3A_204, %dma_start3A_205] : memref<2x64x128xf32, #tpu.memory_space<vmem>> -> memref<1x64x128xf32, #tpu.memory_space<vmem>>
        %dma_start3A_207 = tpu.memref_squeeze %dma_start3A_206 : memref<1x64x128xf32, #tpu.memory_space<vmem>> -> memref<64x128xf32, #tpu.memory_space<vmem>>
        %dma_start3A_208 = arith.constant 0 : i32
        %dma_start3A_209 = tpu.memref_slice %arg2[%dma_start3A_208, %mul3A_201] : memref<64x1000000xf32, #tpu.memory_space<hbm>> -> memref<64x128xf32, #tpu.memory_space<hbm>>
        %dma_start3A_210 = tpu.memref_slice %arg8[%dma_start3A_203] : memref<2x!tpu.dma_semaphore, #tpu.memory_space<semaphore_mem>> -> memref<1x!tpu.dma_semaphore, #tpu.memory_space<semaphore_mem>>
        %dma_start3A_211 = tpu.memref_squeeze %dma_start3A_210 : memref<1x!tpu.dma_semaphore, #tpu.memory_space<semaphore_mem>> -> memref<!tpu.dma_semaphore, #tpu.memory_space<semaphore_mem>>
        %dma_start3A_212 = arith.constant 0 : i32
        %dma_start3A_213 = arith.constant 0 : i32
        %dma_start3A_214 = tpu.memref_slice %arg5[%dma_start3A_202, %dma_start3A_212, %dma_start3A_213] : memref<2x64x128xf32, #tpu.memory_space<vmem>> -> memref<1x64x128xf32, #tpu.memory_space<vmem>>
        %dma_start3A_215 = tpu.memref_squeeze %dma_start3A_214 : memref<1x64x128xf32, #tpu.memory_space<vmem>> -> memref<64x128xf32, #tpu.memory_space<vmem>>
        %dma_start3A_216 = arith.constant 0 : i32
        %dma_start3A_217 = tpu.memref_slice %arg2[%dma_start3A_216, %mul3A_201] : memref<64x1000000xf32, #tpu.memory_space<hbm>> -> memref<64x128xf32, #tpu.memory_space<hbm>>
        tpu.enqueue_dma source(%dma_start3A_217 : memref<64x128xf32, #tpu.memory_space<hbm>>) target(%dma_start3A_215 : memref<64x128xf32, #tpu.memory_space<vmem>>) target_semaphore(%dma_start3A_211 : memref<!tpu.dma_semaphore, #tpu.memory_space<semaphore_mem>>)
      } else {
      }
      %dma_wait3A_149 = arith.constant 1 : i32
      %dma_wait3A_150 = arith.constant 1 : i32
      %dma_wait3A_151 = arith.constant 0 : i32
      %dma_wait3A_152 = arith.constant 0 : i32
      %dma_wait3A_153 = tpu.memref_slice %arg5[%dma_wait3A_149, %dma_wait3A_151, %dma_wait3A_152] : memref<2x64x128xf32, #tpu.memory_space<vmem>> -> memref<1x64x128xf32, #tpu.memory_space<vmem>>
      %dma_wait3A_154 = tpu.memref_squeeze %dma_wait3A_153 : memref<1x64x128xf32, #tpu.memory_space<vmem>> -> memref<64x128xf32, #tpu.memory_space<vmem>>
      %dma_wait3A_155 = arith.constant 0 : i32
      %dma_wait3A_156 = arith.constant 0 : i32
      %dma_wait3A_157 = tpu.memref_slice %arg2[%dma_wait3A_155, %dma_wait3A_156] : memref<64x1000000xf32, #tpu.memory_space<hbm>> -> memref<64x128xf32, #tpu.memory_space<hbm>>
      %dma_wait3A_158 = tpu.memref_slice %arg8[%dma_wait3A_150] : memref<2x!tpu.dma_semaphore, #tpu.memory_space<semaphore_mem>> -> memref<1x!tpu.dma_semaphore, #tpu.memory_space<semaphore_mem>>
      %dma_wait3A_159 = tpu.memref_squeeze %dma_wait3A_158 : memref<1x!tpu.dma_semaphore, #tpu.memory_space<semaphore_mem>> -> memref<!tpu.dma_semaphore, #tpu.memory_space<semaphore_mem>>
      %dma_wait3A_160 = arith.constant 0 : i32
      %dma_wait3A_161 = arith.constant 0 : i32
      %dma_wait3A_162 = tpu.memref_slice %arg5[%dma_wait3A_149, %dma_wait3A_160, %dma_wait3A_161] : memref<2x64x128xf32, #tpu.memory_space<vmem>> -> memref<1x64x128xf32, #tpu.memory_space<vmem>>
      %dma_wait3A_163 = tpu.memref_squeeze %dma_wait3A_162 : memref<1x64x128xf32, #tpu.memory_space<vmem>> -> memref<64x128xf32, #tpu.memory_space<vmem>>
      %dma_wait3A_164 = arith.constant 0 : i32
      %dma_wait3A_165 = arith.constant 0 : i32
      %dma_wait3A_166 = tpu.memref_slice %arg2[%dma_wait3A_164, %dma_wait3A_165] : memref<64x1000000xf32, #tpu.memory_space<hbm>> -> memref<64x128xf32, #tpu.memory_space<hbm>>
      tpu.wait_dma2 semaphore(%dma_wait3A_159 : memref<!tpu.dma_semaphore, #tpu.memory_space<semaphore_mem>>) src(%dma_wait3A_166 : memref<64x128xf32, #tpu.memory_space<hbm>>) dst(%dma_wait3A_163 : memref<64x128xf32, #tpu.memory_space<vmem>>)
      %ge3A_167 = arith.constant 2 : i32
      %ge3A_168 = arith.cmpi sge, %add3A_139, %ge3A_167 : i32
      %convert_element_type3A_169 = arith.extui %ge3A_168 : i1 to i32
      %cond3A_170 = arith.constant 0 : i32
      %cond3A_171 = arith.cmpi ne, %convert_element_type3A_169, %cond3A_170 : i32
      scf.if %cond3A_171 {
        %dma_wait3A_198 = arith.constant 1 : i32
        %dma_wait3A_199 = arith.constant 1 : i32
        %dma_wait3A_200 = arith.constant 0 : i32
        %dma_wait3A_201 = arith.constant 0 : i32
        %dma_wait3A_202 = tpu.memref_slice %arg6[%dma_wait3A_198, %dma_wait3A_200, %dma_wait3A_201] : memref<2x64x128xf32, #tpu.memory_space<vmem>> -> memref<1x64x128xf32, #tpu.memory_space<vmem>>
        %dma_wait3A_203 = tpu.memref_squeeze %dma_wait3A_202 : memref<1x64x128xf32, #tpu.memory_space<vmem>> -> memref<64x128xf32, #tpu.memory_space<vmem>>
        %dma_wait3A_204 = arith.constant 0 : i32
        %dma_wait3A_205 = arith.constant 0 : i32
        %dma_wait3A_206 = tpu.memref_slice %arg4[%dma_wait3A_204, %dma_wait3A_205] : memref<500000x128xf32, #tpu.memory_space<hbm>> -> memref<64x128xf32, #tpu.memory_space<hbm>>
        %dma_wait3A_207 = tpu.memref_slice %arg9[%dma_wait3A_199] : memref<2x!tpu.dma_semaphore, #tpu.memory_space<semaphore_mem>> -> memref<1x!tpu.dma_semaphore, #tpu.memory_space<semaphore_mem>>
        %dma_wait3A_208 = tpu.memref_squeeze %dma_wait3A_207 : memref<1x!tpu.dma_semaphore, #tpu.memory_space<semaphore_mem>> -> memref<!tpu.dma_semaphore, #tpu.memory_space<semaphore_mem>>
        %dma_wait3A_209 = arith.constant 0 : i32
        %dma_wait3A_210 = arith.constant 0 : i32
        %dma_wait3A_211 = tpu.memref_slice %arg4[%dma_wait3A_209, %dma_wait3A_210] : memref<500000x128xf32, #tpu.memory_space<hbm>> -> memref<64x128xf32, #tpu.memory_space<hbm>>
        %dma_wait3A_212 = arith.constant 0 : i32
        %dma_wait3A_213 = arith.constant 0 : i32
        %dma_wait3A_214 = tpu.memref_slice %arg6[%dma_wait3A_198, %dma_wait3A_212, %dma_wait3A_213] : memref<2x64x128xf32, #tpu.memory_space<vmem>> -> memref<1x64x128xf32, #tpu.memory_space<vmem>>
        %dma_wait3A_215 = tpu.memref_squeeze %dma_wait3A_214 : memref<1x64x128xf32, #tpu.memory_space<vmem>> -> memref<64x128xf32, #tpu.memory_space<vmem>>
        tpu.wait_dma2 semaphore(%dma_wait3A_208 : memref<!tpu.dma_semaphore, #tpu.memory_space<semaphore_mem>>) src(%dma_wait3A_215 : memref<64x128xf32, #tpu.memory_space<vmem>>) dst(%dma_wait3A_211 : memref<64x128xf32, #tpu.memory_space<hbm>>)
      } else {
      }
      %parallel_loop3A_172 = arith.constant 0 : i32
      %parallel_loop3A_173 = arith.constant 512 : i32
      %parallel_loop3A_174 = arith.constant 1 : i32
      %parallel_loop3A_175 = arith.constant 1 : i32
      scf.for %parallel_loop3A_198 = %parallel_loop3A_172 to %parallel_loop3A_173 step %parallel_loop3A_174  : i32 {
        %parallel_loop3A_199 = arith.constant 6 : i32
        %parallel_loop3A_200 = arith.shrui %parallel_loop3A_198, %parallel_loop3A_199 : i32
        %parallel_loop3A_201 = arith.constant 63 : i32
        %parallel_loop3A_202 = arith.andi %parallel_loop3A_198, %parallel_loop3A_201 : i32
        %parallel_loop3A_203 = arith.constant 16 : i32
        %parallel_loop3A_204 = arith.muli %parallel_loop3A_200, %parallel_loop3A_203 : i32
        %parallel_loop3A_205 = arith.constant 0 : i32
        %parallel_loop3A_206 = arith.constant 0 : i32
        %parallel_loop3A_207 = tpu.memref_slice %arg5[%parallel_loop3A_175, %parallel_loop3A_205, %parallel_loop3A_206] : memref<2x64x128xf32, #tpu.memory_space<vmem>> -> memref<1x64x128xf32, #tpu.memory_space<vmem>>
        %parallel_loop3A_208 = tpu.memref_squeeze %parallel_loop3A_207 : memref<1x64x128xf32, #tpu.memory_space<vmem>> -> memref<64x128xf32, #tpu.memory_space<vmem>>
        %parallel_loop3A_209 = arith.index_cast %parallel_loop3A_202 : i32 to index
        %parallel_loop3A_210 = arith.index_cast %parallel_loop3A_204 : i32 to index
        %parallel_loop3A_211 = tpu.vector_load %parallel_loop3A_208[%parallel_loop3A_209, %parallel_loop3A_210] {strides = array<i32>} : memref<64x128xf32, #tpu.memory_space<vmem>>, vector<16xf32>,
        %parallel_loop3A_212 = arith.constant 129 : i32
        %parallel_loop3A_213 = arith.muli %parallel_loop3A_202, %parallel_loop3A_212 : i32
        %parallel_loop3A_214 = arith.constant 16 : i32
        %parallel_loop3A_215 = arith.muli %parallel_loop3A_200, %parallel_loop3A_214 : i32
        %parallel_loop3A_216 = arith.addi %parallel_loop3A_213, %parallel_loop3A_215 : i32
        %parallel_loop3A_217 = vector.broadcast %parallel_loop3A_216 : i32 to vector<16xi32>
        %parallel_loop3A_218 = arith.addi %iota3A, %parallel_loop3A_217 : vector<16xi32>
        tpu.vector_store_idx %arg7[%parallel_loop3A_218], %parallel_loop3A_211 : memref<8256xf32, #tpu.memory_space<vmem>>[vector<16xi32>], vector<16xf32>,
      } {sc.loop_unroll_factor = 16 : i64, sc.parallel_access}
      %parallel_loop3A_176 = arith.constant 0 : i32
      %parallel_loop3A_177 = arith.constant 512 : i32
      %parallel_loop3A_178 = arith.constant 1 : i32
      %parallel_loop3A_179 = arith.constant 1 : i32
      scf.for %parallel_loop3A_198 = %parallel_loop3A_176 to %parallel_loop3A_177 step %parallel_loop3A_178  : i32 {
        %parallel_loop3A_199 = arith.constant 3 : i32
        %parallel_loop3A_200 = arith.shrui %parallel_loop3A_198, %parallel_loop3A_199 : i32
        %parallel_loop3A_201 = arith.constant 2 : i32
        %parallel_loop3A_202 = arith.shrsi %parallel_loop3A_198, %parallel_loop3A_201 : i32
        %parallel_loop3A_203 = arith.constant 1 : i32
        %parallel_loop3A_204 = arith.andi %parallel_loop3A_202, %parallel_loop3A_203 : i32
        %parallel_loop3A_205 = arith.constant 3 : i32
        %parallel_loop3A_206 = arith.andi %parallel_loop3A_198, %parallel_loop3A_205 : i32
        %parallel_loop3A_207 = arith.constant 4 : i32
        %parallel_loop3A_208 = arith.shli %parallel_loop3A_206, %parallel_loop3A_207 : i32
        %parallel_loop3A_209 = arith.constant 129 : i32
        %parallel_loop3A_210 = arith.muli %parallel_loop3A_208, %parallel_loop3A_209 : i32
        %parallel_loop3A_211 = arith.constant 2 : i32
        %parallel_loop3A_212 = arith.muli %parallel_loop3A_211, %parallel_loop3A_200 : i32
        %parallel_loop3A_213 = arith.addi %parallel_loop3A_210, %parallel_loop3A_212 : i32
        %parallel_loop3A_214 = arith.addi %parallel_loop3A_213, %parallel_loop3A_204 : i32
        %parallel_loop3A_215 = vector.broadcast %parallel_loop3A_214 : i32 to vector<16xi32>
        %parallel_loop3A_216 = arith.addi %mul3A_3, %parallel_loop3A_215 : vector<16xi32>
        %parallel_loop3A_217 = tpu.vector_load_idx %arg7[%parallel_loop3A_216] : memref<8256xf32, #tpu.memory_space<vmem>>[vector<16xi32>], vector<16xf32>,
        %parallel_loop3A_218 = arith.constant 64 : i32
        %parallel_loop3A_219 = arith.muli %parallel_loop3A_204, %parallel_loop3A_218 : i32
        %parallel_loop3A_220 = arith.addi %parallel_loop3A_219, %parallel_loop3A_208 : i32
        %parallel_loop3A_221 = arith.constant 0 : i32
        %parallel_loop3A_222 = arith.constant 0 : i32
        %parallel_loop3A_223 = tpu.memref_slice %arg6[%parallel_loop3A_179, %parallel_loop3A_221, %parallel_loop3A_222] : memref<2x64x128xf32, #tpu.memory_space<vmem>> -> memref<1x64x128xf32, #tpu.memory_space<vmem>>
        %parallel_loop3A_224 = tpu.memref_squeeze %parallel_loop3A_223 : memref<1x64x128xf32, #tpu.memory_space<vmem>> -> memref<64x128xf32, #tpu.memory_space<vmem>>
        %parallel_loop3A_225 = arith.index_cast %parallel_loop3A_200 : i32 to index
        %parallel_loop3A_226 = arith.index_cast %parallel_loop3A_220 : i32 to index
        %parallel_loop3A_227 = tpu.vector_load %parallel_loop3A_224[%parallel_loop3A_225, %parallel_loop3A_226] {strides = array<i32>} : memref<64x128xf32, #tpu.memory_space<vmem>>, vector<16xf32>,
        tpu.vector_store %parallel_loop3A_224[%parallel_loop3A_225, %parallel_loop3A_226], %parallel_loop3A_217 {strides = array<i32>} : memref<64x128xf32, #tpu.memory_space<vmem>>, vector<16xf32>,
      } {sc.loop_unroll_factor = 16 : i64, sc.parallel_access}
      %mul3A_180 = arith.constant 64 : i32
      %mul3A_181 = arith.muli %add3A_142, %mul3A_180 : i32
      %dma_start3A_182 = arith.constant 1 : i32
      %dma_start3A_183 = arith.constant 1 : i32
      %dma_start3A_184 = arith.constant 0 : i32
      %dma_start3A_185 = arith.constant 0 : i32
      %dma_start3A_186 = tpu.memref_slice %arg6[%dma_start3A_182, %dma_start3A_184, %dma_start3A_185] : memref<2x64x128xf32, #tpu.memory_space<vmem>> -> memref<1x64x128xf32, #tpu.memory_space<vmem>>
      %dma_start3A_187 = tpu.memref_squeeze %dma_start3A_186 : memref<1x64x128xf32, #tpu.memory_space<vmem>> -> memref<64x128xf32, #tpu.memory_space<vmem>>
      %dma_start3A_188 = arith.constant 0 : i32
      %dma_start3A_189 = tpu.memref_slice %arg4[%mul3A_181, %dma_start3A_188] : memref<500000x128xf32, #tpu.memory_space<hbm>> -> memref<64x128xf32, #tpu.memory_space<hbm>>
      %dma_start3A_190 = tpu.memref_slice %arg9[%dma_start3A_183] : memref<2x!tpu.dma_semaphore, #tpu.memory_space<semaphore_mem>> -> memref<1x!tpu.dma_semaphore, #tpu.memory_space<semaphore_mem>>
      %dma_start3A_191 = tpu.memref_squeeze %dma_start3A_190 : memref<1x!tpu.dma_semaphore, #tpu.memory_space<semaphore_mem>> -> memref<!tpu.dma_semaphore, #tpu.memory_space<semaphore_mem>>
      %dma_start3A_192 = arith.constant 0 : i32
      %dma_start3A_193 = tpu.memref_slice %arg4[%mul3A_181, %dma_start3A_192] : memref<500000x128xf32, #tpu.memory_space<hbm>> -> memref<64x128xf32, #tpu.memory_space<hbm>>
      %dma_start3A_194 = arith.constant 0 : i32
      %dma_start3A_195 = arith.constant 0 : i32
      %dma_start3A_196 = tpu.memref_slice %arg6[%dma_start3A_182, %dma_start3A_194, %dma_start3A_195] : memref<2x64x128xf32, #tpu.memory_space<vmem>> -> memref<1x64x128xf32, #tpu.memory_space<vmem>>
      %dma_start3A_197 = tpu.memref_squeeze %dma_start3A_196 : memref<1x64x128xf32, #tpu.memory_space<vmem>> -> memref<64x128xf32, #tpu.memory_space<vmem>>
      tpu.enqueue_dma source(%dma_start3A_197 : memref<64x128xf32, #tpu.memory_space<vmem>>) target(%dma_start3A_193 : memref<64x128xf32, #tpu.memory_space<hbm>>) target_semaphore(%dma_start3A_191 : memref<!tpu.dma_semaphore, #tpu.memory_space<semaphore_mem>>)
    }
    %while3A_33 = arith.constant 1 : i32
    scf.for %while3A_77 = %while3A_31 to %while3A_27 step %while3A_33  : i32 {
      %mul3A_78 = arith.constant 2 : i32
      %mul3A_79 = arith.muli %mul3A_78, %while3A_77 : i32
      %mul3A_80 = arith.constant 32 : i32
      %mul3A_81 = arith.muli %mul3A_79, %mul3A_80 : i32
      %add3A_82 = arith.addi %add3A, %mul3A_81 : i32
      %add3A_83 = arith.constant 1 : i32
      %add3A_84 = arith.addi %mul3A_79, %add3A_83 : i32
      %lt3A_85 = arith.cmpi slt, %add3A_84, %add3A_6 : i32
      %convert_element_type3A_86 = arith.extui %lt3A_85 : i1 to i32
      %cond3A_87 = arith.constant 0 : i32
      %cond3A_88 = arith.cmpi ne, %convert_element_type3A_86, %cond3A_87 : i32
      scf.if %cond3A_88 {
        %add3A_198 = arith.constant 32 : i32
        %add3A_199 = arith.addi %add3A_82, %add3A_198 : i32
        %mul3A_200 = arith.constant 128 : i32
        %mul3A_201 = arith.muli %add3A_199, %mul3A_200 : i32
        %dma_start3A_202 = arith.constant 1 : i32
        %dma_start3A_203 = arith.constant 1 : i32
        %dma_start3A_204 = arith.constant 0 : i32
        %dma_start3A_205 = arith.constant 0 : i32
        %dma_start3A_206 = tpu.memref_slice %arg5[%dma_start3A_202, %dma_start3A_204, %dma_start3A_205] : memref<2x64x128xf32, #tpu.memory_space<vmem>> -> memref<1x64x128xf32, #tpu.memory_space<vmem>>
        %dma_start3A_207 = tpu.memref_squeeze %dma_start3A_206 : memref<1x64x128xf32, #tpu.memory_space<vmem>> -> memref<64x128xf32, #tpu.memory_space<vmem>>
        %dma_start3A_208 = arith.constant 0 : i32
        %dma_start3A_209 = tpu.memref_slice %arg2[%dma_start3A_208, %mul3A_201] : memref<64x1000000xf32, #tpu.memory_space<hbm>> -> memref<64x128xf32, #tpu.memory_space<hbm>>
        %dma_start3A_210 = tpu.memref_slice %arg8[%dma_start3A_203] : memref<2x!tpu.dma_semaphore, #tpu.memory_space<semaphore_mem>> -> memref<1x!tpu.dma_semaphore, #tpu.memory_space<semaphore_mem>>
        %dma_start3A_211 = tpu.memref_squeeze %dma_start3A_210 : memref<1x!tpu.dma_semaphore, #tpu.memory_space<semaphore_mem>> -> memref<!tpu.dma_semaphore, #tpu.memory_space<semaphore_mem>>
        %dma_start3A_212 = arith.constant 0 : i32
        %dma_start3A_213 = arith.constant 0 : i32
        %dma_start3A_214 = tpu.memref_slice %arg5[%dma_start3A_202, %dma_start3A_212, %dma_start3A_213] : memref<2x64x128xf32, #tpu.memory_space<vmem>> -> memref<1x64x128xf32, #tpu.memory_space<vmem>>
        %dma_start3A_215 = tpu.memref_squeeze %dma_start3A_214 : memref<1x64x128xf32, #tpu.memory_space<vmem>> -> memref<64x128xf32, #tpu.memory_space<vmem>>
        %dma_start3A_216 = arith.constant 0 : i32
        %dma_start3A_217 = tpu.memref_slice %arg2[%dma_start3A_216, %mul3A_201] : memref<64x1000000xf32, #tpu.memory_space<hbm>> -> memref<64x128xf32, #tpu.memory_space<hbm>>
        tpu.enqueue_dma source(%dma_start3A_217 : memref<64x128xf32, #tpu.memory_space<hbm>>) target(%dma_start3A_215 : memref<64x128xf32, #tpu.memory_space<vmem>>) target_semaphore(%dma_start3A_211 : memref<!tpu.dma_semaphore, #tpu.memory_space<semaphore_mem>>)
      } else {
      }
      %dma_wait3A_89 = arith.constant 0 : i32
      %dma_wait3A_90 = arith.constant 0 : i32
      %dma_wait3A_91 = arith.constant 0 : i32
      %dma_wait3A_92 = arith.constant 0 : i32
      %dma_wait3A_93 = tpu.memref_slice %arg5[%dma_wait3A_89, %dma_wait3A_91, %dma_wait3A_92] : memref<2x64x128xf32, #tpu.memory_space<vmem>> -> memref<1x64x128xf32, #tpu.memory_space<vmem>>
      %dma_wait3A_94 = tpu.memref_squeeze %dma_wait3A_93 : memref<1x64x128xf32, #tpu.memory_space<vmem>> -> memref<64x128xf32, #tpu.memory_space<vmem>>
      %dma_wait3A_95 = arith.constant 0 : i32
      %dma_wait3A_96 = arith.constant 0 : i32
      %dma_wait3A_97 = tpu.memref_slice %arg2[%dma_wait3A_95, %dma_wait3A_96] : memref<64x1000000xf32, #tpu.memory_space<hbm>> -> memref<64x128xf32, #tpu.memory_space<hbm>>
      %dma_wait3A_98 = tpu.memref_slice %arg8[%dma_wait3A_90] : memref<2x!tpu.dma_semaphore, #tpu.memory_space<semaphore_mem>> -> memref<1x!tpu.dma_semaphore, #tpu.memory_space<semaphore_mem>>
      %dma_wait3A_99 = tpu.memref_squeeze %dma_wait3A_98 : memref<1x!tpu.dma_semaphore, #tpu.memory_space<semaphore_mem>> -> memref<!tpu.dma_semaphore, #tpu.memory_space<semaphore_mem>>
      %dma_wait3A_100 = arith.constant 0 : i32
      %dma_wait3A_101 = arith.constant 0 : i32
      %dma_wait3A_102 = tpu.memref_slice %arg5[%dma_wait3A_89, %dma_wait3A_100, %dma_wait3A_101] : memref<2x64x128xf32, #tpu.memory_space<vmem>> -> memref<1x64x128xf32, #tpu.memory_space<vmem>>
      %dma_wait3A_103 = tpu.memref_squeeze %dma_wait3A_102 : memref<1x64x128xf32, #tpu.memory_space<vmem>> -> memref<64x128xf32, #tpu.memory_space<vmem>>
      %dma_wait3A_104 = arith.constant 0 : i32
      %dma_wait3A_105 = arith.constant 0 : i32
      %dma_wait3A_106 = tpu.memref_slice %arg2[%dma_wait3A_104, %dma_wait3A_105] : memref<64x1000000xf32, #tpu.memory_space<hbm>> -> memref<64x128xf32, #tpu.memory_space<hbm>>
      tpu.wait_dma2 semaphore(%dma_wait3A_99 : memref<!tpu.dma_semaphore, #tpu.memory_space<semaphore_mem>>) src(%dma_wait3A_106 : memref<64x128xf32, #tpu.memory_space<hbm>>) dst(%dma_wait3A_103 : memref<64x128xf32, #tpu.memory_space<vmem>>)
      %ge3A = arith.constant 2 : i32
      %ge3A_107 = arith.cmpi sge, %mul3A_79, %ge3A : i32
      %convert_element_type3A_108 = arith.extui %ge3A_107 : i1 to i32
      %cond3A_109 = arith.constant 0 : i32
      %cond3A_110 = arith.cmpi ne, %convert_element_type3A_108, %cond3A_109 : i32
      scf.if %cond3A_110 {
        %dma_wait3A_198 = arith.constant 0 : i32
        %dma_wait3A_199 = arith.constant 0 : i32
        %dma_wait3A_200 = arith.constant 0 : i32
        %dma_wait3A_201 = arith.constant 0 : i32
        %dma_wait3A_202 = tpu.memref_slice %arg6[%dma_wait3A_198, %dma_wait3A_200, %dma_wait3A_201] : memref<2x64x128xf32, #tpu.memory_space<vmem>> -> memref<1x64x128xf32, #tpu.memory_space<vmem>>
        %dma_wait3A_203 = tpu.memref_squeeze %dma_wait3A_202 : memref<1x64x128xf32, #tpu.memory_space<vmem>> -> memref<64x128xf32, #tpu.memory_space<vmem>>
        %dma_wait3A_204 = arith.constant 0 : i32
        %dma_wait3A_205 = arith.constant 0 : i32
        %dma_wait3A_206 = tpu.memref_slice %arg4[%dma_wait3A_204, %dma_wait3A_205] : memref<500000x128xf32, #tpu.memory_space<hbm>> -> memref<64x128xf32, #tpu.memory_space<hbm>>
        %dma_wait3A_207 = tpu.memref_slice %arg9[%dma_wait3A_199] : memref<2x!tpu.dma_semaphore, #tpu.memory_space<semaphore_mem>> -> memref<1x!tpu.dma_semaphore, #tpu.memory_space<semaphore_mem>>
        %dma_wait3A_208 = tpu.memref_squeeze %dma_wait3A_207 : memref<1x!tpu.dma_semaphore, #tpu.memory_space<semaphore_mem>> -> memref<!tpu.dma_semaphore, #tpu.memory_space<semaphore_mem>>
        %dma_wait3A_209 = arith.constant 0 : i32
        %dma_wait3A_210 = arith.constant 0 : i32
        %dma_wait3A_211 = tpu.memref_slice %arg4[%dma_wait3A_209, %dma_wait3A_210] : memref<500000x128xf32, #tpu.memory_space<hbm>> -> memref<64x128xf32, #tpu.memory_space<hbm>>
        %dma_wait3A_212 = arith.constant 0 : i32
        %dma_wait3A_213 = arith.constant 0 : i32
        %dma_wait3A_214 = tpu.memref_slice %arg6[%dma_wait3A_198, %dma_wait3A_212, %dma_wait3A_213] : memref<2x64x128xf32, #tpu.memory_space<vmem>> -> memref<1x64x128xf32, #tpu.memory_space<vmem>>
        %dma_wait3A_215 = tpu.memref_squeeze %dma_wait3A_214 : memref<1x64x128xf32, #tpu.memory_space<vmem>> -> memref<64x128xf32, #tpu.memory_space<vmem>>
        tpu.wait_dma2 semaphore(%dma_wait3A_208 : memref<!tpu.dma_semaphore, #tpu.memory_space<semaphore_mem>>) src(%dma_wait3A_215 : memref<64x128xf32, #tpu.memory_space<vmem>>) dst(%dma_wait3A_211 : memref<64x128xf32, #tpu.memory_space<hbm>>)
      } else {
      }
      %parallel_loop3A = arith.constant 0 : i32
      %parallel_loop3A_111 = arith.constant 512 : i32
      %parallel_loop3A_112 = arith.constant 1 : i32
      %parallel_loop3A_113 = arith.constant 0 : i32
      scf.for %parallel_loop3A_198 = %parallel_loop3A to %parallel_loop3A_111 step %parallel_loop3A_112  : i32 {
        %parallel_loop3A_199 = arith.constant 6 : i32
        %parallel_loop3A_200 = arith.shrui %parallel_loop3A_198, %parallel_loop3A_199 : i32
        %parallel_loop3A_201 = arith.constant 63 : i32
        %parallel_loop3A_202 = arith.andi %parallel_loop3A_198, %parallel_loop3A_201 : i32
        %parallel_loop3A_203 = arith.constant 16 : i32
        %parallel_loop3A_204 = arith.muli %parallel_loop3A_200, %parallel_loop3A_203 : i32
        %parallel_loop3A_205 = arith.constant 0 : i32
        %parallel_loop3A_206 = arith.constant 0 : i32
        %parallel_loop3A_207 = tpu.memref_slice %arg5[%parallel_loop3A_113, %parallel_loop3A_205, %parallel_loop3A_206] : memref<2x64x128xf32, #tpu.memory_space<vmem>> -> memref<1x64x128xf32, #tpu.memory_space<vmem>>
        %parallel_loop3A_208 = tpu.memref_squeeze %parallel_loop3A_207 : memref<1x64x128xf32, #tpu.memory_space<vmem>> -> memref<64x128xf32, #tpu.memory_space<vmem>>
        %parallel_loop3A_209 = arith.index_cast %parallel_loop3A_202 : i32 to index
        %parallel_loop3A_210 = arith.index_cast %parallel_loop3A_204 : i32 to index
        %parallel_loop3A_211 = tpu.vector_load %parallel_loop3A_208[%parallel_loop3A_209, %parallel_loop3A_210] {strides = array<i32>} : memref<64x128xf32, #tpu.memory_space<vmem>>, vector<16xf32>,
        %parallel_loop3A_212 = arith.constant 129 : i32
        %parallel_loop3A_213 = arith.muli %parallel_loop3A_202, %parallel_loop3A_212 : i32
        %parallel_loop3A_214 = arith.constant 16 : i32
        %parallel_loop3A_215 = arith.muli %parallel_loop3A_200, %parallel_loop3A_214 : i32
        %parallel_loop3A_216 = arith.addi %parallel_loop3A_213, %parallel_loop3A_215 : i32
        %parallel_loop3A_217 = vector.broadcast %parallel_loop3A_216 : i32 to vector<16xi32>
        %parallel_loop3A_218 = arith.addi %iota3A, %parallel_loop3A_217 : vector<16xi32>
        tpu.vector_store_idx %arg7[%parallel_loop3A_218], %parallel_loop3A_211 : memref<8256xf32, #tpu.memory_space<vmem>>[vector<16xi32>], vector<16xf32>,
      } {sc.loop_unroll_factor = 16 : i64, sc.parallel_access}
      %parallel_loop3A_114 = arith.constant 0 : i32
      %parallel_loop3A_115 = arith.constant 512 : i32
      %parallel_loop3A_116 = arith.constant 1 : i32
      %parallel_loop3A_117 = arith.constant 0 : i32
      scf.for %parallel_loop3A_198 = %parallel_loop3A_114 to %parallel_loop3A_115 step %parallel_loop3A_116  : i32 {
        %parallel_loop3A_199 = arith.constant 3 : i32
        %parallel_loop3A_200 = arith.shrui %parallel_loop3A_198, %parallel_loop3A_199 : i32
        %parallel_loop3A_201 = arith.constant 2 : i32
        %parallel_loop3A_202 = arith.shrsi %parallel_loop3A_198, %parallel_loop3A_201 : i32
        %parallel_loop3A_203 = arith.constant 1 : i32
        %parallel_loop3A_204 = arith.andi %parallel_loop3A_202, %parallel_loop3A_203 : i32
        %parallel_loop3A_205 = arith.constant 3 : i32
        %parallel_loop3A_206 = arith.andi %parallel_loop3A_198, %parallel_loop3A_205 : i32
        %parallel_loop3A_207 = arith.constant 4 : i32
        %parallel_loop3A_208 = arith.shli %parallel_loop3A_206, %parallel_loop3A_207 : i32
        %parallel_loop3A_209 = arith.constant 129 : i32
        %parallel_loop3A_210 = arith.muli %parallel_loop3A_208, %parallel_loop3A_209 : i32
        %parallel_loop3A_211 = arith.constant 2 : i32
        %parallel_loop3A_212 = arith.muli %parallel_loop3A_211, %parallel_loop3A_200 : i32
        %parallel_loop3A_213 = arith.addi %parallel_loop3A_210, %parallel_loop3A_212 : i32
        %parallel_loop3A_214 = arith.addi %parallel_loop3A_213, %parallel_loop3A_204 : i32
        %parallel_loop3A_215 = vector.broadcast %parallel_loop3A_214 : i32 to vector<16xi32>
        %parallel_loop3A_216 = arith.addi %mul3A_3, %parallel_loop3A_215 : vector<16xi32>
        %parallel_loop3A_217 = tpu.vector_load_idx %arg7[%parallel_loop3A_216] : memref<8256xf32, #tpu.memory_space<vmem>>[vector<16xi32>], vector<16xf32>,
        %parallel_loop3A_218 = arith.constant 64 : i32
        %parallel_loop3A_219 = arith.muli %parallel_loop3A_204, %parallel_loop3A_218 : i32
        %parallel_loop3A_220 = arith.addi %parallel_loop3A_219, %parallel_loop3A_208 : i32
        %parallel_loop3A_221 = arith.constant 0 : i32
        %parallel_loop3A_222 = arith.constant 0 : i32
        %parallel_loop3A_223 = tpu.memref_slice %arg6[%parallel_loop3A_117, %parallel_loop3A_221, %parallel_loop3A_222] : memref<2x64x128xf32, #tpu.memory_space<vmem>> -> memref<1x64x128xf32, #tpu.memory_space<vmem>>
        %parallel_loop3A_224 = tpu.memref_squeeze %parallel_loop3A_223 : memref<1x64x128xf32, #tpu.memory_space<vmem>> -> memref<64x128xf32, #tpu.memory_space<vmem>>
        %parallel_loop3A_225 = arith.index_cast %parallel_loop3A_200 : i32 to index
        %parallel_loop3A_226 = arith.index_cast %parallel_loop3A_220 : i32 to index
        %parallel_loop3A_227 = tpu.vector_load %parallel_loop3A_224[%parallel_loop3A_225, %parallel_loop3A_226] {strides = array<i32>} : memref<64x128xf32, #tpu.memory_space<vmem>>, vector<16xf32>,
        tpu.vector_store %parallel_loop3A_224[%parallel_loop3A_225, %parallel_loop3A_226], %parallel_loop3A_217 {strides = array<i32>} : memref<64x128xf32, #tpu.memory_space<vmem>>, vector<16xf32>,
      } {sc.loop_unroll_factor = 16 : i64, sc.parallel_access}
      %mul3A_118 = arith.constant 64 : i32
      %mul3A_119 = arith.muli %add3A_82, %mul3A_118 : i32
      %dma_start3A_120 = arith.constant 0 : i32
      %dma_start3A_121 = arith.constant 0 : i32
      %dma_start3A_122 = arith.constant 0 : i32
      %dma_start3A_123 = arith.constant 0 : i32
      %dma_start3A_124 = tpu.memref_slice %arg6[%dma_start3A_120, %dma_start3A_122, %dma_start3A_123] : memref<2x64x128xf32, #tpu.memory_space<vmem>> -> memref<1x64x128xf32, #tpu.memory_space<vmem>>
      %dma_start3A_125 = tpu.memref_squeeze %dma_start3A_124 : memref<1x64x128xf32, #tpu.memory_space<vmem>> -> memref<64x128xf32, #tpu.memory_space<vmem>>
      %dma_start3A_126 = arith.constant 0 : i32
      %dma_start3A_127 = tpu.memref_slice %arg4[%mul3A_119, %dma_start3A_126] : memref<500000x128xf32, #tpu.memory_space<hbm>> -> memref<64x128xf32, #tpu.memory_space<hbm>>
      %dma_start3A_128 = tpu.memref_slice %arg9[%dma_start3A_121] : memref<2x!tpu.dma_semaphore, #tpu.memory_space<semaphore_mem>> -> memref<1x!tpu.dma_semaphore, #tpu.memory_space<semaphore_mem>>
      %dma_start3A_129 = tpu.memref_squeeze %dma_start3A_128 : memref<1x!tpu.dma_semaphore, #tpu.memory_space<semaphore_mem>> -> memref<!tpu.dma_semaphore, #tpu.memory_space<semaphore_mem>>
      %dma_start3A_130 = arith.constant 0 : i32
      %dma_start3A_131 = tpu.memref_slice %arg4[%mul3A_119, %dma_start3A_130] : memref<500000x128xf32, #tpu.memory_space<hbm>> -> memref<64x128xf32, #tpu.memory_space<hbm>>
      %dma_start3A_132 = arith.constant 0 : i32
      %dma_start3A_133 = arith.constant 0 : i32
      %dma_start3A_134 = tpu.memref_slice %arg6[%dma_start3A_120, %dma_start3A_132, %dma_start3A_133] : memref<2x64x128xf32, #tpu.memory_space<vmem>> -> memref<1x64x128xf32, #tpu.memory_space<vmem>>
      %dma_start3A_135 = tpu.memref_squeeze %dma_start3A_134 : memref<1x64x128xf32, #tpu.memory_space<vmem>> -> memref<64x128xf32, #tpu.memory_space<vmem>>
      tpu.enqueue_dma source(%dma_start3A_135 : memref<64x128xf32, #tpu.memory_space<vmem>>) target(%dma_start3A_131 : memref<64x128xf32, #tpu.memory_space<hbm>>) target_semaphore(%dma_start3A_129 : memref<!tpu.dma_semaphore, #tpu.memory_space<semaphore_mem>>)
      %mul3A_136 = arith.constant 2 : i32
      %mul3A_137 = arith.muli %mul3A_136, %while3A_77 : i32
      %add3A_138 = arith.constant 1 : i32
      %add3A_139 = arith.addi %mul3A_137, %add3A_138 : i32
      %mul3A_140 = arith.constant 32 : i32
      %mul3A_141 = arith.muli %add3A_139, %mul3A_140 : i32
      %add3A_142 = arith.addi %add3A, %mul3A_141 : i32
      %add3A_143 = arith.constant 1 : i32
      %add3A_144 = arith.addi %add3A_139, %add3A_143 : i32
      %lt3A_145 = arith.cmpi slt, %add3A_144, %add3A_6 : i32
      %convert_element_type3A_146 = arith.extui %lt3A_145 : i1 to i32
      %cond3A_147 = arith.constant 0 : i32
      %cond3A_148 = arith.cmpi ne, %convert_element_type3A_146, %cond3A_147 : i32
      scf.if %cond3A_148 {
        %add3A_198 = arith.constant 32 : i32
        %add3A_199 = arith.addi %add3A_142, %add3A_198 : i32
        %mul3A_200 = arith.constant 128 : i32
        %mul3A_201 = arith.muli %add3A_199, %mul3A_200 : i32
        %dma_start3A_202 = arith.constant 0 : i32
        %dma_start3A_203 = arith.constant 0 : i32
        %dma_start3A_204 = arith.constant 0 : i32
        %dma_start3A_205 = arith.constant 0 : i32
        %dma_start3A_206 = tpu.memref_slice %arg5[%dma_start3A_202, %dma_start3A_204, %dma_start3A_205] : memref<2x64x128xf32, #tpu.memory_space<vmem>> -> memref<1x64x128xf32, #tpu.memory_space<vmem>>
        %dma_start3A_207 = tpu.memref_squeeze %dma_start3A_206 : memref<1x64x128xf32, #tpu.memory_space<vmem>> -> memref<64x128xf32, #tpu.memory_space<vmem>>
        %dma_start3A_208 = arith.constant 0 : i32
        %dma_start3A_209 = tpu.memref_slice %arg2[%dma_start3A_208, %mul3A_201] : memref<64x1000000xf32, #tpu.memory_space<hbm>> -> memref<64x128xf32, #tpu.memory_space<hbm>>
        %dma_start3A_210 = tpu.memref_slice %arg8[%dma_start3A_203] : memref<2x!tpu.dma_semaphore, #tpu.memory_space<semaphore_mem>> -> memref<1x!tpu.dma_semaphore, #tpu.memory_space<semaphore_mem>>
        %dma_start3A_211 = tpu.memref_squeeze %dma_start3A_210 : memref<1x!tpu.dma_semaphore, #tpu.memory_space<semaphore_mem>> -> memref<!tpu.dma_semaphore, #tpu.memory_space<semaphore_mem>>
        %dma_start3A_212 = arith.constant 0 : i32
        %dma_start3A_213 = arith.constant 0 : i32
        %dma_start3A_214 = tpu.memref_slice %arg5[%dma_start3A_202, %dma_start3A_212, %dma_start3A_213] : memref<2x64x128xf32, #tpu.memory_space<vmem>> -> memref<1x64x128xf32, #tpu.memory_space<vmem>>
        %dma_start3A_215 = tpu.memref_squeeze %dma_start3A_214 : memref<1x64x128xf32, #tpu.memory_space<vmem>> -> memref<64x128xf32, #tpu.memory_space<vmem>>
        %dma_start3A_216 = arith.constant 0 : i32
        %dma_start3A_217 = tpu.memref_slice %arg2[%dma_start3A_216, %mul3A_201] : memref<64x1000000xf32, #tpu.memory_space<hbm>> -> memref<64x128xf32, #tpu.memory_space<hbm>>
        tpu.enqueue_dma source(%dma_start3A_217 : memref<64x128xf32, #tpu.memory_space<hbm>>) target(%dma_start3A_215 : memref<64x128xf32, #tpu.memory_space<vmem>>) target_semaphore(%dma_start3A_211 : memref<!tpu.dma_semaphore, #tpu.memory_space<semaphore_mem>>)
      } else {
      }
      %dma_wait3A_149 = arith.constant 1 : i32
      %dma_wait3A_150 = arith.constant 1 : i32
      %dma_wait3A_151 = arith.constant 0 : i32
      %dma_wait3A_152 = arith.constant 0 : i32
      %dma_wait3A_153 = tpu.memref_slice %arg5[%dma_wait3A_149, %dma_wait3A_151, %dma_wait3A_152] : memref<2x64x128xf32, #tpu.memory_space<vmem>> -> memref<1x64x128xf32, #tpu.memory_space<vmem>>
      %dma_wait3A_154 = tpu.memref_squeeze %dma_wait3A_153 : memref<1x64x128xf32, #tpu.memory_space<vmem>> -> memref<64x128xf32, #tpu.memory_space<vmem>>
      %dma_wait3A_155 = arith.constant 0 : i32
      %dma_wait3A_156 = arith.constant 0 : i32
      %dma_wait3A_157 = tpu.memref_slice %arg2[%dma_wait3A_155, %dma_wait3A_156] : memref<64x1000000xf32, #tpu.memory_space<hbm>> -> memref<64x128xf32, #tpu.memory_space<hbm>>
      %dma_wait3A_158 = tpu.memref_slice %arg8[%dma_wait3A_150] : memref<2x!tpu.dma_semaphore, #tpu.memory_space<semaphore_mem>> -> memref<1x!tpu.dma_semaphore, #tpu.memory_space<semaphore_mem>>
      %dma_wait3A_159 = tpu.memref_squeeze %dma_wait3A_158 : memref<1x!tpu.dma_semaphore, #tpu.memory_space<semaphore_mem>> -> memref<!tpu.dma_semaphore, #tpu.memory_space<semaphore_mem>>
      %dma_wait3A_160 = arith.constant 0 : i32
      %dma_wait3A_161 = arith.constant 0 : i32
      %dma_wait3A_162 = tpu.memref_slice %arg5[%dma_wait3A_149, %dma_wait3A_160, %dma_wait3A_161] : memref<2x64x128xf32, #tpu.memory_space<vmem>> -> memref<1x64x128xf32, #tpu.memory_space<vmem>>
      %dma_wait3A_163 = tpu.memref_squeeze %dma_wait3A_162 : memref<1x64x128xf32, #tpu.memory_space<vmem>> -> memref<64x128xf32, #tpu.memory_space<vmem>>
      %dma_wait3A_164 = arith.constant 0 : i32
      %dma_wait3A_165 = arith.constant 0 : i32
      %dma_wait3A_166 = tpu.memref_slice %arg2[%dma_wait3A_164, %dma_wait3A_165] : memref<64x1000000xf32, #tpu.memory_space<hbm>> -> memref<64x128xf32, #tpu.memory_space<hbm>>
      tpu.wait_dma2 semaphore(%dma_wait3A_159 : memref<!tpu.dma_semaphore, #tpu.memory_space<semaphore_mem>>) src(%dma_wait3A_166 : memref<64x128xf32, #tpu.memory_space<hbm>>) dst(%dma_wait3A_163 : memref<64x128xf32, #tpu.memory_space<vmem>>)
      %ge3A_167 = arith.constant 2 : i32
      %ge3A_168 = arith.cmpi sge, %add3A_139, %ge3A_167 : i32
      %convert_element_type3A_169 = arith.extui %ge3A_168 : i1 to i32
      %cond3A_170 = arith.constant 0 : i32
      %cond3A_171 = arith.cmpi ne, %convert_element_type3A_169, %cond3A_170 : i32
      scf.if %cond3A_171 {
        %dma_wait3A_198 = arith.constant 1 : i32
        %dma_wait3A_199 = arith.constant 1 : i32
        %dma_wait3A_200 = arith.constant 0 : i32
        %dma_wait3A_201 = arith.constant 0 : i32
        %dma_wait3A_202 = tpu.memref_slice %arg6[%dma_wait3A_198, %dma_wait3A_200, %dma_wait3A_201] : memref<2x64x128xf32, #tpu.memory_space<vmem>> -> memref<1x64x128xf32, #tpu.memory_space<vmem>>
        %dma_wait3A_203 = tpu.memref_squeeze %dma_wait3A_202 : memref<1x64x128xf32, #tpu.memory_space<vmem>> -> memref<64x128xf32, #tpu.memory_space<vmem>>
        %dma_wait3A_204 = arith.constant 0 : i32
        %dma_wait3A_205 = arith.constant 0 : i32
        %dma_wait3A_206 = tpu.memref_slice %arg4[%dma_wait3A_204, %dma_wait3A_205] : memref<500000x128xf32, #tpu.memory_space<hbm>> -> memref<64x128xf32, #tpu.memory_space<hbm>>
        %dma_wait3A_207 = tpu.memref_slice %arg9[%dma_wait3A_199] : memref<2x!tpu.dma_semaphore, #tpu.memory_space<semaphore_mem>> -> memref<1x!tpu.dma_semaphore, #tpu.memory_space<semaphore_mem>>
        %dma_wait3A_208 = tpu.memref_squeeze %dma_wait3A_207 : memref<1x!tpu.dma_semaphore, #tpu.memory_space<semaphore_mem>> -> memref<!tpu.dma_semaphore, #tpu.memory_space<semaphore_mem>>
        %dma_wait3A_209 = arith.constant 0 : i32
        %dma_wait3A_210 = arith.constant 0 : i32
        %dma_wait3A_211 = tpu.memref_slice %arg4[%dma_wait3A_209, %dma_wait3A_210] : memref<500000x128xf32, #tpu.memory_space<hbm>> -> memref<64x128xf32, #tpu.memory_space<hbm>>
        %dma_wait3A_212 = arith.constant 0 : i32
        %dma_wait3A_213 = arith.constant 0 : i32
        %dma_wait3A_214 = tpu.memref_slice %arg6[%dma_wait3A_198, %dma_wait3A_212, %dma_wait3A_213] : memref<2x64x128xf32, #tpu.memory_space<vmem>> -> memref<1x64x128xf32, #tpu.memory_space<vmem>>
        %dma_wait3A_215 = tpu.memref_squeeze %dma_wait3A_214 : memref<1x64x128xf32, #tpu.memory_space<vmem>> -> memref<64x128xf32, #tpu.memory_space<vmem>>
        tpu.wait_dma2 semaphore(%dma_wait3A_208 : memref<!tpu.dma_semaphore, #tpu.memory_space<semaphore_mem>>) src(%dma_wait3A_215 : memref<64x128xf32, #tpu.memory_space<vmem>>) dst(%dma_wait3A_211 : memref<64x128xf32, #tpu.memory_space<hbm>>)
      } else {
      }
      %parallel_loop3A_172 = arith.constant 0 : i32
      %parallel_loop3A_173 = arith.constant 512 : i32
      %parallel_loop3A_174 = arith.constant 1 : i32
      %parallel_loop3A_175 = arith.constant 1 : i32
      scf.for %parallel_loop3A_198 = %parallel_loop3A_172 to %parallel_loop3A_173 step %parallel_loop3A_174  : i32 {
        %parallel_loop3A_199 = arith.constant 6 : i32
        %parallel_loop3A_200 = arith.shrui %parallel_loop3A_198, %parallel_loop3A_199 : i32
        %parallel_loop3A_201 = arith.constant 63 : i32
        %parallel_loop3A_202 = arith.andi %parallel_loop3A_198, %parallel_loop3A_201 : i32
        %parallel_loop3A_203 = arith.constant 16 : i32
        %parallel_loop3A_204 = arith.muli %parallel_loop3A_200, %parallel_loop3A_203 : i32
        %parallel_loop3A_205 = arith.constant 0 : i32
        %parallel_loop3A_206 = arith.constant 0 : i32
        %parallel_loop3A_207 = tpu.memref_slice %arg5[%parallel_loop3A_175, %parallel_loop3A_205, %parallel_loop3A_206] : memref<2x64x128xf32, #tpu.memory_space<vmem>> -> memref<1x64x128xf32, #tpu.memory_space<vmem>>
        %parallel_loop3A_208 = tpu.memref_squeeze %parallel_loop3A_207 : memref<1x64x128xf32, #tpu.memory_space<vmem>> -> memref<64x128xf32, #tpu.memory_space<vmem>>
        %parallel_loop3A_209 = arith.index_cast %parallel_loop3A_202 : i32 to index
        %parallel_loop3A_210 = arith.index_cast %parallel_loop3A_204 : i32 to index
        %parallel_loop3A_211 = tpu.vector_load %parallel_loop3A_208[%parallel_loop3A_209, %parallel_loop3A_210] {strides = array<i32>} : memref<64x128xf32, #tpu.memory_space<vmem>>, vector<16xf32>,
        %parallel_loop3A_212 = arith.constant 129 : i32
        %parallel_loop3A_213 = arith.muli %parallel_loop3A_202, %parallel_loop3A_212 : i32
        %parallel_loop3A_214 = arith.constant 16 : i32
        %parallel_loop3A_215 = arith.muli %parallel_loop3A_200, %parallel_loop3A_214 : i32
        %parallel_loop3A_216 = arith.addi %parallel_loop3A_213, %parallel_loop3A_215 : i32
        %parallel_loop3A_217 = vector.broadcast %parallel_loop3A_216 : i32 to vector<16xi32>
        %parallel_loop3A_218 = arith.addi %iota3A, %parallel_loop3A_217 : vector<16xi32>
        tpu.vector_store_idx %arg7[%parallel_loop3A_218], %parallel_loop3A_211 : memref<8256xf32, #tpu.memory_space<vmem>>[vector<16xi32>], vector<16xf32>,
      } {sc.loop_unroll_factor = 16 : i64, sc.parallel_access}
      %parallel_loop3A_176 = arith.constant 0 : i32
      %parallel_loop3A_177 = arith.constant 512 : i32
      %parallel_loop3A_178 = arith.constant 1 : i32
      %parallel_loop3A_179 = arith.constant 1 : i32
      scf.for %parallel_loop3A_198 = %parallel_loop3A_176 to %parallel_loop3A_177 step %parallel_loop3A_178  : i32 {
        %parallel_loop3A_199 = arith.constant 3 : i32
        %parallel_loop3A_200 = arith.shrui %parallel_loop3A_198, %parallel_loop3A_199 : i32
        %parallel_loop3A_201 = arith.constant 2 : i32
        %parallel_loop3A_202 = arith.shrsi %parallel_loop3A_198, %parallel_loop3A_201 : i32
        %parallel_loop3A_203 = arith.constant 1 : i32
        %parallel_loop3A_204 = arith.andi %parallel_loop3A_202, %parallel_loop3A_203 : i32
        %parallel_loop3A_205 = arith.constant 3 : i32
        %parallel_loop3A_206 = arith.andi %parallel_loop3A_198, %parallel_loop3A_205 : i32
        %parallel_loop3A_207 = arith.constant 4 : i32
        %parallel_loop3A_208 = arith.shli %parallel_loop3A_206, %parallel_loop3A_207 : i32
        %parallel_loop3A_209 = arith.constant 129 : i32
        %parallel_loop3A_210 = arith.muli %parallel_loop3A_208, %parallel_loop3A_209 : i32
        %parallel_loop3A_211 = arith.constant 2 : i32
        %parallel_loop3A_212 = arith.muli %parallel_loop3A_211, %parallel_loop3A_200 : i32
        %parallel_loop3A_213 = arith.addi %parallel_loop3A_210, %parallel_loop3A_212 : i32
        %parallel_loop3A_214 = arith.addi %parallel_loop3A_213, %parallel_loop3A_204 : i32
        %parallel_loop3A_215 = vector.broadcast %parallel_loop3A_214 : i32 to vector<16xi32>
        %parallel_loop3A_216 = arith.addi %mul3A_3, %parallel_loop3A_215 : vector<16xi32>
        %parallel_loop3A_217 = tpu.vector_load_idx %arg7[%parallel_loop3A_216] : memref<8256xf32, #tpu.memory_space<vmem>>[vector<16xi32>], vector<16xf32>,
        %parallel_loop3A_218 = arith.constant 64 : i32
        %parallel_loop3A_219 = arith.muli %parallel_loop3A_204, %parallel_loop3A_218 : i32
        %parallel_loop3A_220 = arith.addi %parallel_loop3A_219, %parallel_loop3A_208 : i32
        %parallel_loop3A_221 = arith.constant 0 : i32
        %parallel_loop3A_222 = arith.constant 0 : i32
        %parallel_loop3A_223 = tpu.memref_slice %arg6[%parallel_loop3A_179, %parallel_loop3A_221, %parallel_loop3A_222] : memref<2x64x128xf32, #tpu.memory_space<vmem>> -> memref<1x64x128xf32, #tpu.memory_space<vmem>>
        %parallel_loop3A_224 = tpu.memref_squeeze %parallel_loop3A_223 : memref<1x64x128xf32, #tpu.memory_space<vmem>> -> memref<64x128xf32, #tpu.memory_space<vmem>>
        %parallel_loop3A_225 = arith.index_cast %parallel_loop3A_200 : i32 to index
        %parallel_loop3A_226 = arith.index_cast %parallel_loop3A_220 : i32 to index
        %parallel_loop3A_227 = tpu.vector_load %parallel_loop3A_224[%parallel_loop3A_225, %parallel_loop3A_226] {strides = array<i32>} : memref<64x128xf32, #tpu.memory_space<vmem>>, vector<16xf32>,
        tpu.vector_store %parallel_loop3A_224[%parallel_loop3A_225, %parallel_loop3A_226], %parallel_loop3A_217 {strides = array<i32>} : memref<64x128xf32, #tpu.memory_space<vmem>>, vector<16xf32>,
      } {sc.loop_unroll_factor = 16 : i64, sc.parallel_access}
      %mul3A_180 = arith.constant 64 : i32
      %mul3A_181 = arith.muli %add3A_142, %mul3A_180 : i32
      %dma_start3A_182 = arith.constant 1 : i32
      %dma_start3A_183 = arith.constant 1 : i32
      %dma_start3A_184 = arith.constant 0 : i32
      %dma_start3A_185 = arith.constant 0 : i32
      %dma_start3A_186 = tpu.memref_slice %arg6[%dma_start3A_182, %dma_start3A_184, %dma_start3A_185] : memref<2x64x128xf32, #tpu.memory_space<vmem>> -> memref<1x64x128xf32, #tpu.memory_space<vmem>>
      %dma_start3A_187 = tpu.memref_squeeze %dma_start3A_186 : memref<1x64x128xf32, #tpu.memory_space<vmem>> -> memref<64x128xf32, #tpu.memory_space<vmem>>
      %dma_start3A_188 = arith.constant 0 : i32
      %dma_start3A_189 = tpu.memref_slice %arg4[%mul3A_181, %dma_start3A_188] : memref<500000x128xf32, #tpu.memory_space<hbm>> -> memref<64x128xf32, #tpu.memory_space<hbm>>
      %dma_start3A_190 = tpu.memref_slice %arg9[%dma_start3A_183] : memref<2x!tpu.dma_semaphore, #tpu.memory_space<semaphore_mem>> -> memref<1x!tpu.dma_semaphore, #tpu.memory_space<semaphore_mem>>
      %dma_start3A_191 = tpu.memref_squeeze %dma_start3A_190 : memref<1x!tpu.dma_semaphore, #tpu.memory_space<semaphore_mem>> -> memref<!tpu.dma_semaphore, #tpu.memory_space<semaphore_mem>>
      %dma_start3A_192 = arith.constant 0 : i32
      %dma_start3A_193 = tpu.memref_slice %arg4[%mul3A_181, %dma_start3A_192] : memref<500000x128xf32, #tpu.memory_space<hbm>> -> memref<64x128xf32, #tpu.memory_space<hbm>>
      %dma_start3A_194 = arith.constant 0 : i32
      %dma_start3A_195 = arith.constant 0 : i32
      %dma_start3A_196 = tpu.memref_slice %arg6[%dma_start3A_182, %dma_start3A_194, %dma_start3A_195] : memref<2x64x128xf32, #tpu.memory_space<vmem>> -> memref<1x64x128xf32, #tpu.memory_space<vmem>>
      %dma_start3A_197 = tpu.memref_squeeze %dma_start3A_196 : memref<1x64x128xf32, #tpu.memory_space<vmem>> -> memref<64x128xf32, #tpu.memory_space<vmem>>
      tpu.enqueue_dma source(%dma_start3A_197 : memref<64x128xf32, #tpu.memory_space<vmem>>) target(%dma_start3A_193 : memref<64x128xf32, #tpu.memory_space<hbm>>) target_semaphore(%dma_start3A_191 : memref<!tpu.dma_semaphore, #tpu.memory_space<semaphore_mem>>)
    }
    %lt3A_34 = arith.constant 4 : i32
    %lt3A_35 = arith.cmpi slt, %add3A, %lt3A_34 : i32
    %convert_element_type3A_36 = arith.extui %lt3A_35 : i1 to i32
    %cond3A = arith.constant 0 : i32
    %cond3A_37 = arith.cmpi ne, %convert_element_type3A_36, %cond3A : i32
    scf.if %cond3A_37 {
      %mul3A_77 = arith.constant 244 : i32
      %mul3A_78 = arith.constant 32 : i32
      %mul3A_79 = arith.muli %mul3A_77, %mul3A_78 : i32
      %add3A_80 = arith.addi %add3A, %mul3A_79 : i32
      %add3A_81 = arith.constant 244 : i32
      %add3A_82 = arith.constant 1 : i32
      %add3A_83 = arith.addi %add3A_81, %add3A_82 : i32
      %lt3A_84 = arith.cmpi slt, %add3A_83, %add3A_6 : i32
      %convert_element_type3A_85 = arith.extui %lt3A_84 : i1 to i32
      %cond3A_86 = arith.constant 0 : i32
      %cond3A_87 = arith.cmpi ne, %convert_element_type3A_85, %cond3A_86 : i32
      scf.if %cond3A_87 {
        %add3A_136 = arith.constant 32 : i32
        %add3A_137 = arith.addi %add3A_80, %add3A_136 : i32
        %mul3A_138 = arith.constant 128 : i32
        %mul3A_139 = arith.muli %add3A_137, %mul3A_138 : i32
        %dma_start3A_140 = arith.constant 1 : i32
        %dma_start3A_141 = arith.constant 1 : i32
        %dma_start3A_142 = arith.constant 0 : i32
        %dma_start3A_143 = arith.constant 0 : i32
        %dma_start3A_144 = tpu.memref_slice %arg5[%dma_start3A_140, %dma_start3A_142, %dma_start3A_143] : memref<2x64x128xf32, #tpu.memory_space<vmem>> -> memref<1x64x128xf32, #tpu.memory_space<vmem>>
        %dma_start3A_145 = tpu.memref_squeeze %dma_start3A_144 : memref<1x64x128xf32, #tpu.memory_space<vmem>> -> memref<64x128xf32, #tpu.memory_space<vmem>>
        %dma_start3A_146 = arith.constant 0 : i32
        %dma_start3A_147 = tpu.memref_slice %arg2[%dma_start3A_146, %mul3A_139] : memref<64x1000000xf32, #tpu.memory_space<hbm>> -> memref<64x128xf32, #tpu.memory_space<hbm>>
        %dma_start3A_148 = tpu.memref_slice %arg8[%dma_start3A_141] : memref<2x!tpu.dma_semaphore, #tpu.memory_space<semaphore_mem>> -> memref<1x!tpu.dma_semaphore, #tpu.memory_space<semaphore_mem>>
        %dma_start3A_149 = tpu.memref_squeeze %dma_start3A_148 : memref<1x!tpu.dma_semaphore, #tpu.memory_space<semaphore_mem>> -> memref<!tpu.dma_semaphore, #tpu.memory_space<semaphore_mem>>
        %dma_start3A_150 = arith.constant 0 : i32
        %dma_start3A_151 = arith.constant 0 : i32
        %dma_start3A_152 = tpu.memref_slice %arg5[%dma_start3A_140, %dma_start3A_150, %dma_start3A_151] : memref<2x64x128xf32, #tpu.memory_space<vmem>> -> memref<1x64x128xf32, #tpu.memory_space<vmem>>
        %dma_start3A_153 = tpu.memref_squeeze %dma_start3A_152 : memref<1x64x128xf32, #tpu.memory_space<vmem>> -> memref<64x128xf32, #tpu.memory_space<vmem>>
        %dma_start3A_154 = arith.constant 0 : i32
        %dma_start3A_155 = tpu.memref_slice %arg2[%dma_start3A_154, %mul3A_139] : memref<64x1000000xf32, #tpu.memory_space<hbm>> -> memref<64x128xf32, #tpu.memory_space<hbm>>
        tpu.enqueue_dma source(%dma_start3A_155 : memref<64x128xf32, #tpu.memory_space<hbm>>) target(%dma_start3A_153 : memref<64x128xf32, #tpu.memory_space<vmem>>) target_semaphore(%dma_start3A_149 : memref<!tpu.dma_semaphore, #tpu.memory_space<semaphore_mem>>)
      } else {
      }
      %dma_wait3A_88 = arith.constant 0 : i32
      %dma_wait3A_89 = arith.constant 0 : i32
      %dma_wait3A_90 = arith.constant 0 : i32
      %dma_wait3A_91 = arith.constant 0 : i32
      %dma_wait3A_92 = tpu.memref_slice %arg5[%dma_wait3A_88, %dma_wait3A_90, %dma_wait3A_91] : memref<2x64x128xf32, #tpu.memory_space<vmem>> -> memref<1x64x128xf32, #tpu.memory_space<vmem>>
      %dma_wait3A_93 = tpu.memref_squeeze %dma_wait3A_92 : memref<1x64x128xf32, #tpu.memory_space<vmem>> -> memref<64x128xf32, #tpu.memory_space<vmem>>
      %dma_wait3A_94 = arith.constant 0 : i32
      %dma_wait3A_95 = arith.constant 0 : i32
      %dma_wait3A_96 = tpu.memref_slice %arg2[%dma_wait3A_94, %dma_wait3A_95] : memref<64x1000000xf32, #tpu.memory_space<hbm>> -> memref<64x128xf32, #tpu.memory_space<hbm>>
      %dma_wait3A_97 = tpu.memref_slice %arg8[%dma_wait3A_89] : memref<2x!tpu.dma_semaphore, #tpu.memory_space<semaphore_mem>> -> memref<1x!tpu.dma_semaphore, #tpu.memory_space<semaphore_mem>>
      %dma_wait3A_98 = tpu.memref_squeeze %dma_wait3A_97 : memref<1x!tpu.dma_semaphore, #tpu.memory_space<semaphore_mem>> -> memref<!tpu.dma_semaphore, #tpu.memory_space<semaphore_mem>>
      %dma_wait3A_99 = arith.constant 0 : i32
      %dma_wait3A_100 = arith.constant 0 : i32
      %dma_wait3A_101 = tpu.memref_slice %arg5[%dma_wait3A_88, %dma_wait3A_99, %dma_wait3A_100] : memref<2x64x128xf32, #tpu.memory_space<vmem>> -> memref<1x64x128xf32, #tpu.memory_space<vmem>>
      %dma_wait3A_102 = tpu.memref_squeeze %dma_wait3A_101 : memref<1x64x128xf32, #tpu.memory_space<vmem>> -> memref<64x128xf32, #tpu.memory_space<vmem>>
      %dma_wait3A_103 = arith.constant 0 : i32
      %dma_wait3A_104 = arith.constant 0 : i32
      %dma_wait3A_105 = tpu.memref_slice %arg2[%dma_wait3A_103, %dma_wait3A_104] : memref<64x1000000xf32, #tpu.memory_space<hbm>> -> memref<64x128xf32, #tpu.memory_space<hbm>>
      tpu.wait_dma2 semaphore(%dma_wait3A_98 : memref<!tpu.dma_semaphore, #tpu.memory_space<semaphore_mem>>) src(%dma_wait3A_105 : memref<64x128xf32, #tpu.memory_space<hbm>>) dst(%dma_wait3A_102 : memref<64x128xf32, #tpu.memory_space<vmem>>)
      %ge3A = arith.constant 244 : i32
      %ge3A_106 = arith.constant 2 : i32
      %ge3A_107 = arith.cmpi sge, %ge3A, %ge3A_106 : i32
      %convert_element_type3A_108 = arith.extui %ge3A_107 : i1 to i32
      %cond3A_109 = arith.constant 0 : i32
      %cond3A_110 = arith.cmpi ne, %convert_element_type3A_108, %cond3A_109 : i32
      scf.if %cond3A_110 {
        %dma_wait3A_136 = arith.constant 0 : i32
        %dma_wait3A_137 = arith.constant 0 : i32
        %dma_wait3A_138 = arith.constant 0 : i32
        %dma_wait3A_139 = arith.constant 0 : i32
        %dma_wait3A_140 = tpu.memref_slice %arg6[%dma_wait3A_136, %dma_wait3A_138, %dma_wait3A_139] : memref<2x64x128xf32, #tpu.memory_space<vmem>> -> memref<1x64x128xf32, #tpu.memory_space<vmem>>
        %dma_wait3A_141 = tpu.memref_squeeze %dma_wait3A_140 : memref<1x64x128xf32, #tpu.memory_space<vmem>> -> memref<64x128xf32, #tpu.memory_space<vmem>>
        %dma_wait3A_142 = arith.constant 0 : i32
        %dma_wait3A_143 = arith.constant 0 : i32
        %dma_wait3A_144 = tpu.memref_slice %arg4[%dma_wait3A_142, %dma_wait3A_143] : memref<500000x128xf32, #tpu.memory_space<hbm>> -> memref<64x128xf32, #tpu.memory_space<hbm>>
        %dma_wait3A_145 = tpu.memref_slice %arg9[%dma_wait3A_137] : memref<2x!tpu.dma_semaphore, #tpu.memory_space<semaphore_mem>> -> memref<1x!tpu.dma_semaphore, #tpu.memory_space<semaphore_mem>>
        %dma_wait3A_146 = tpu.memref_squeeze %dma_wait3A_145 : memref<1x!tpu.dma_semaphore, #tpu.memory_space<semaphore_mem>> -> memref<!tpu.dma_semaphore, #tpu.memory_space<semaphore_mem>>
        %dma_wait3A_147 = arith.constant 0 : i32
        %dma_wait3A_148 = arith.constant 0 : i32
        %dma_wait3A_149 = tpu.memref_slice %arg4[%dma_wait3A_147, %dma_wait3A_148] : memref<500000x128xf32, #tpu.memory_space<hbm>> -> memref<64x128xf32, #tpu.memory_space<hbm>>
        %dma_wait3A_150 = arith.constant 0 : i32
        %dma_wait3A_151 = arith.constant 0 : i32
        %dma_wait3A_152 = tpu.memref_slice %arg6[%dma_wait3A_136, %dma_wait3A_150, %dma_wait3A_151] : memref<2x64x128xf32, #tpu.memory_space<vmem>> -> memref<1x64x128xf32, #tpu.memory_space<vmem>>
        %dma_wait3A_153 = tpu.memref_squeeze %dma_wait3A_152 : memref<1x64x128xf32, #tpu.memory_space<vmem>> -> memref<64x128xf32, #tpu.memory_space<vmem>>
        tpu.wait_dma2 semaphore(%dma_wait3A_146 : memref<!tpu.dma_semaphore, #tpu.memory_space<semaphore_mem>>) src(%dma_wait3A_153 : memref<64x128xf32, #tpu.memory_space<vmem>>) dst(%dma_wait3A_149 : memref<64x128xf32, #tpu.memory_space<hbm>>)
      } else {
      }
      %parallel_loop3A = arith.constant 0 : i32
      %parallel_loop3A_111 = arith.constant 512 : i32
      %parallel_loop3A_112 = arith.constant 1 : i32
      %parallel_loop3A_113 = arith.constant 0 : i32
      scf.for %parallel_loop3A_136 = %parallel_loop3A to %parallel_loop3A_111 step %parallel_loop3A_112  : i32 {
        %parallel_loop3A_137 = arith.constant 6 : i32
        %parallel_loop3A_138 = arith.shrui %parallel_loop3A_136, %parallel_loop3A_137 : i32
        %parallel_loop3A_139 = arith.constant 63 : i32
        %parallel_loop3A_140 = arith.andi %parallel_loop3A_136, %parallel_loop3A_139 : i32
        %parallel_loop3A_141 = arith.constant 16 : i32
        %parallel_loop3A_142 = arith.muli %parallel_loop3A_138, %parallel_loop3A_141 : i32
        %parallel_loop3A_143 = arith.constant 0 : i32
        %parallel_loop3A_144 = arith.constant 0 : i32
        %parallel_loop3A_145 = tpu.memref_slice %arg5[%parallel_loop3A_113, %parallel_loop3A_143, %parallel_loop3A_144] : memref<2x64x128xf32, #tpu.memory_space<vmem>> -> memref<1x64x128xf32, #tpu.memory_space<vmem>>
        %parallel_loop3A_146 = tpu.memref_squeeze %parallel_loop3A_145 : memref<1x64x128xf32, #tpu.memory_space<vmem>> -> memref<64x128xf32, #tpu.memory_space<vmem>>
        %parallel_loop3A_147 = arith.index_cast %parallel_loop3A_140 : i32 to index
        %parallel_loop3A_148 = arith.index_cast %parallel_loop3A_142 : i32 to index
        %parallel_loop3A_149 = tpu.vector_load %parallel_loop3A_146[%parallel_loop3A_147, %parallel_loop3A_148] {strides = array<i32>} : memref<64x128xf32, #tpu.memory_space<vmem>>, vector<16xf32>,
        %parallel_loop3A_150 = arith.constant 129 : i32
        %parallel_loop3A_151 = arith.muli %parallel_loop3A_140, %parallel_loop3A_150 : i32
        %parallel_loop3A_152 = arith.constant 16 : i32
        %parallel_loop3A_153 = arith.muli %parallel_loop3A_138, %parallel_loop3A_152 : i32
        %parallel_loop3A_154 = arith.addi %parallel_loop3A_151, %parallel_loop3A_153 : i32
        %parallel_loop3A_155 = vector.broadcast %parallel_loop3A_154 : i32 to vector<16xi32>
        %parallel_loop3A_156 = arith.addi %iota3A, %parallel_loop3A_155 : vector<16xi32>
        tpu.vector_store_idx %arg7[%parallel_loop3A_156], %parallel_loop3A_149 : memref<8256xf32, #tpu.memory_space<vmem>>[vector<16xi32>], vector<16xf32>,
      } {sc.loop_unroll_factor = 16 : i64, sc.parallel_access}
      %parallel_loop3A_114 = arith.constant 0 : i32
      %parallel_loop3A_115 = arith.constant 512 : i32
      %parallel_loop3A_116 = arith.constant 1 : i32
      %parallel_loop3A_117 = arith.constant 0 : i32
      scf.for %parallel_loop3A_136 = %parallel_loop3A_114 to %parallel_loop3A_115 step %parallel_loop3A_116  : i32 {
        %parallel_loop3A_137 = arith.constant 3 : i32
        %parallel_loop3A_138 = arith.shrui %parallel_loop3A_136, %parallel_loop3A_137 : i32
        %parallel_loop3A_139 = arith.constant 2 : i32
        %parallel_loop3A_140 = arith.shrsi %parallel_loop3A_136, %parallel_loop3A_139 : i32
        %parallel_loop3A_141 = arith.constant 1 : i32
        %parallel_loop3A_142 = arith.andi %parallel_loop3A_140, %parallel_loop3A_141 : i32
        %parallel_loop3A_143 = arith.constant 3 : i32
        %parallel_loop3A_144 = arith.andi %parallel_loop3A_136, %parallel_loop3A_143 : i32
        %parallel_loop3A_145 = arith.constant 4 : i32
        %parallel_loop3A_146 = arith.shli %parallel_loop3A_144, %parallel_loop3A_145 : i32
        %parallel_loop3A_147 = arith.constant 129 : i32
        %parallel_loop3A_148 = arith.muli %parallel_loop3A_146, %parallel_loop3A_147 : i32
        %parallel_loop3A_149 = arith.constant 2 : i32
        %parallel_loop3A_150 = arith.muli %parallel_loop3A_149, %parallel_loop3A_138 : i32
        %parallel_loop3A_151 = arith.addi %parallel_loop3A_148, %parallel_loop3A_150 : i32
        %parallel_loop3A_152 = arith.addi %parallel_loop3A_151, %parallel_loop3A_142 : i32
        %parallel_loop3A_153 = vector.broadcast %parallel_loop3A_152 : i32 to vector<16xi32>
        %parallel_loop3A_154 = arith.addi %mul3A_3, %parallel_loop3A_153 : vector<16xi32>
        %parallel_loop3A_155 = tpu.vector_load_idx %arg7[%parallel_loop3A_154] : memref<8256xf32, #tpu.memory_space<vmem>>[vector<16xi32>], vector<16xf32>,
        %parallel_loop3A_156 = arith.constant 64 : i32
        %parallel_loop3A_157 = arith.muli %parallel_loop3A_142, %parallel_loop3A_156 : i32
        %parallel_loop3A_158 = arith.addi %parallel_loop3A_157, %parallel_loop3A_146 : i32
        %parallel_loop3A_159 = arith.constant 0 : i32
        %parallel_loop3A_160 = arith.constant 0 : i32
        %parallel_loop3A_161 = tpu.memref_slice %arg6[%parallel_loop3A_117, %parallel_loop3A_159, %parallel_loop3A_160] : memref<2x64x128xf32, #tpu.memory_space<vmem>> -> memref<1x64x128xf32, #tpu.memory_space<vmem>>
        %parallel_loop3A_162 = tpu.memref_squeeze %parallel_loop3A_161 : memref<1x64x128xf32, #tpu.memory_space<vmem>> -> memref<64x128xf32, #tpu.memory_space<vmem>>
        %parallel_loop3A_163 = arith.index_cast %parallel_loop3A_138 : i32 to index
        %parallel_loop3A_164 = arith.index_cast %parallel_loop3A_158 : i32 to index
        %parallel_loop3A_165 = tpu.vector_load %parallel_loop3A_162[%parallel_loop3A_163, %parallel_loop3A_164] {strides = array<i32>} : memref<64x128xf32, #tpu.memory_space<vmem>>, vector<16xf32>,
        tpu.vector_store %parallel_loop3A_162[%parallel_loop3A_163, %parallel_loop3A_164], %parallel_loop3A_155 {strides = array<i32>} : memref<64x128xf32, #tpu.memory_space<vmem>>, vector<16xf32>,
      } {sc.loop_unroll_factor = 16 : i64, sc.parallel_access}
      %mul3A_118 = arith.constant 64 : i32
      %mul3A_119 = arith.muli %add3A_80, %mul3A_118 : i32
      %dma_start3A_120 = arith.constant 0 : i32
      %dma_start3A_121 = arith.constant 0 : i32
      %dma_start3A_122 = arith.constant 0 : i32
      %dma_start3A_123 = arith.constant 0 : i32
      %dma_start3A_124 = tpu.memref_slice %arg6[%dma_start3A_120, %dma_start3A_122, %dma_start3A_123] : memref<2x64x128xf32, #tpu.memory_space<vmem>> -> memref<1x64x128xf32, #tpu.memory_space<vmem>>
      %dma_start3A_125 = tpu.memref_squeeze %dma_start3A_124 : memref<1x64x128xf32, #tpu.memory_space<vmem>> -> memref<64x128xf32, #tpu.memory_space<vmem>>
      %dma_start3A_126 = arith.constant 0 : i32
      %dma_start3A_127 = tpu.memref_slice %arg4[%mul3A_119, %dma_start3A_126] : memref<500000x128xf32, #tpu.memory_space<hbm>> -> memref<64x128xf32, #tpu.memory_space<hbm>>
      %dma_start3A_128 = tpu.memref_slice %arg9[%dma_start3A_121] : memref<2x!tpu.dma_semaphore, #tpu.memory_space<semaphore_mem>> -> memref<1x!tpu.dma_semaphore, #tpu.memory_space<semaphore_mem>>
      %dma_start3A_129 = tpu.memref_squeeze %dma_start3A_128 : memref<1x!tpu.dma_semaphore, #tpu.memory_space<semaphore_mem>> -> memref<!tpu.dma_semaphore, #tpu.memory_space<semaphore_mem>>
      %dma_start3A_130 = arith.constant 0 : i32
      %dma_start3A_131 = tpu.memref_slice %arg4[%mul3A_119, %dma_start3A_130] : memref<500000x128xf32, #tpu.memory_space<hbm>> -> memref<64x128xf32, #tpu.memory_space<hbm>>
      %dma_start3A_132 = arith.constant 0 : i32
      %dma_start3A_133 = arith.constant 0 : i32
      %dma_start3A_134 = tpu.memref_slice %arg6[%dma_start3A_120, %dma_start3A_132, %dma_start3A_133] : memref<2x64x128xf32, #tpu.memory_space<vmem>> -> memref<1x64x128xf32, #tpu.memory_space<vmem>>
      %dma_start3A_135 = tpu.memref_squeeze %dma_start3A_134 : memref<1x64x128xf32, #tpu.memory_space<vmem>> -> memref<64x128xf32, #tpu.memory_space<vmem>>
      tpu.enqueue_dma source(%dma_start3A_135 : memref<64x128xf32, #tpu.memory_space<vmem>>) target(%dma_start3A_131 : memref<64x128xf32, #tpu.memory_space<hbm>>) target_semaphore(%dma_start3A_129 : memref<!tpu.dma_semaphore, #tpu.memory_space<semaphore_mem>>)
    } else {
    }
    %dma_wait3A = arith.constant 0 : i32
    %dma_wait3A_38 = arith.constant 0 : i32
    %dma_wait3A_39 = arith.constant 0 : i32
    %dma_wait3A_40 = arith.constant 0 : i32
    %dma_wait3A_41 = tpu.memref_slice %arg6[%dma_wait3A, %dma_wait3A_39, %dma_wait3A_40] : memref<2x64x128xf32, #tpu.memory_space<vmem>> -> memref<1x64x128xf32, #tpu.memory_space<vmem>>
    %dma_wait3A_42 = tpu.memref_squeeze %dma_wait3A_41 : memref<1x64x128xf32, #tpu.memory_space<vmem>> -> memref<64x128xf32, #tpu.memory_space<vmem>>
    %dma_wait3A_43 = arith.constant 0 : i32
    %dma_wait3A_44 = arith.constant 0 : i32
    %dma_wait3A_45 = tpu.memref_slice %arg4[%dma_wait3A_43, %dma_wait3A_44] : memref<500000x128xf32, #tpu.memory_space<hbm>> -> memref<64x128xf32, #tpu.memory_space<hbm>>
    %dma_wait3A_46 = tpu.memref_slice %arg9[%dma_wait3A_38] : memref<2x!tpu.dma_semaphore, #tpu.memory_space<semaphore_mem>> -> memref<1x!tpu.dma_semaphore, #tpu.memory_space<semaphore_mem>>
    %dma_wait3A_47 = tpu.memref_squeeze %dma_wait3A_46 : memref<1x!tpu.dma_semaphore, #tpu.memory_space<semaphore_mem>> -> memref<!tpu.dma_semaphore, #tpu.memory_space<semaphore_mem>>
    %dma_wait3A_48 = arith.constant 0 : i32
    %dma_wait3A_49 = arith.constant 0 : i32
    %dma_wait3A_50 = tpu.memref_slice %arg4[%dma_wait3A_48, %dma_wait3A_49] : memref<500000x128xf32, #tpu.memory_space<hbm>> -> memref<64x128xf32, #tpu.memory_space<hbm>>
    %dma_wait3A_51 = arith.constant 0 : i32
    %dma_wait3A_52 = arith.constant 0 : i32
    %dma_wait3A_53 = tpu.memref_slice %arg6[%dma_wait3A, %dma_wait3A_51, %dma_wait3A_52] : memref<2x64x128xf32, #tpu.memory_space<vmem>> -> memref<1x64x128xf32, #tpu.memory_space<vmem>>
    %dma_wait3A_54 = tpu.memref_squeeze %dma_wait3A_53 : memref<1x64x128xf32, #tpu.memory_space<vmem>> -> memref<64x128xf32, #tpu.memory_space<vmem>>
    tpu.wait_dma2 semaphore(%dma_wait3A_47 : memref<!tpu.dma_semaphore, #tpu.memory_space<semaphore_mem>>) src(%dma_wait3A_54 : memref<64x128xf32, #tpu.memory_space<vmem>>) dst(%dma_wait3A_50 : memref<64x128xf32, #tpu.memory_space<hbm>>)
    %dma_wait3A_55 = arith.constant 1 : i32
    %dma_wait3A_56 = arith.constant 1 : i32
    %dma_wait3A_57 = arith.constant 0 : i32
    %dma_wait3A_58 = arith.constant 0 : i32
    %dma_wait3A_59 = tpu.memref_slice %arg6[%dma_wait3A_55, %dma_wait3A_57, %dma_wait3A_58] : memref<2x64x128xf32, #tpu.memory_space<vmem>> -> memref<1x64x128xf32, #tpu.memory_space<vmem>>
    %dma_wait3A_60 = tpu.memref_squeeze %dma_wait3A_59 : memref<1x64x128xf32, #tpu.memory_space<vmem>> -> memref<64x128xf32, #tpu.memory_space<vmem>>
    %dma_wait3A_61 = arith.constant 0 : i32
    %dma_wait3A_62 = arith.constant 0 : i32
    %dma_wait3A_63 = tpu.memref_slice %arg4[%dma_wait3A_61, %dma_wait3A_62] : memref<500000x128xf32, #tpu.memory_space<hbm>> -> memref<64x128xf32, #tpu.memory_space<hbm>>
    %dma_wait3A_64 = tpu.memref_slice %arg9[%dma_wait3A_56] : memref<2x!tpu.dma_semaphore, #tpu.memory_space<semaphore_mem>> -> memref<1x!tpu.dma_semaphore, #tpu.memory_space<semaphore_mem>>
    %dma_wait3A_65 = tpu.memref_squeeze %dma_wait3A_64 : memref<1x!tpu.dma_semaphore, #tpu.memory_space<semaphore_mem>> -> memref<!tpu.dma_semaphore, #tpu.memory_space<semaphore_mem>>
    %dma_wait3A_66 = arith.constant 0 : i32
    %dma_wait3A_67 = arith.constant 0 : i32
    %dma_wait3A_68 = tpu.memref_slice %arg4[%dma_wait3A_66, %dma_wait3A_67] : memref<500000x128xf32, #tpu.memory_space<hbm>> -> memref<64x128xf32, #tpu.memory_space<hbm>>
    %dma_wait3A_69 = arith.constant 0 : i32
    %dma_wait3A_70 = arith.constant 0 : i32
    %dma_wait3A_71 = tpu.memref_slice %arg6[%dma_wait3A_55, %dma_wait3A_69, %dma_wait3A_70] : memref<2x64x128xf32, #tpu.memory_space<vmem>> -> memref<1x64x128xf32, #tpu.memory_space<vmem>>
    %dma_wait3A_72 = tpu.memref_squeeze %dma_wait3A_71 : memref<1x64x128xf32, #tpu.memory_space<vmem>> -> memref<64x128xf32, #tpu.memory_space<vmem>>
    tpu.wait_dma2 semaphore(%dma_wait3A_65 : memref<!tpu.dma_semaphore, #tpu.memory_space<semaphore_mem>>) src(%dma_wait3A_72 : memref<64x128xf32, #tpu.memory_space<vmem>>) dst(%dma_wait3A_68 : memref<64x128xf32, #tpu.memory_space<hbm>>)
    %eq3A = arith.constant 0 : i32
    %eq3A_73 = arith.cmpi eq, %add3A, %eq3A : i32
    %convert_element_type3A_74 = arith.extui %eq3A_73 : i1 to i32
    %cond3A_75 = arith.constant 0 : i32
    %cond3A_76 = arith.cmpi ne, %convert_element_type3A_74, %cond3A_75 : i32
    scf.if %cond3A_76 {
      %run_scoped3A = arith.constant 0 : i32
      "tpu.region"() ({
        %run_scoped3A_78 = tpu.sem_alloc : memref<!tpu.dma_semaphore, #tpu.memory_space<semaphore_mem>>
        %dma_start3A_79 = arith.constant 0 : i32
        %dma_start3A_80 = arith.constant 0 : i32
        %dma_start3A_81 = tpu.memref_slice %arg6[%run_scoped3A, %dma_start3A_79, %dma_start3A_80] : memref<2x64x128xf32, #tpu.memory_space<vmem>> -> memref<1x64x128xf32, #tpu.memory_space<vmem>>
        %dma_start3A_82 = tpu.memref_squeeze %dma_start3A_81 : memref<1x64x128xf32, #tpu.memory_space<vmem>> -> memref<64x128xf32, #tpu.memory_space<vmem>>
        %dma_start3A_83 = arith.constant 0 : i32
        %dma_start3A_84 = arith.constant 0 : i32
        %dma_start3A_85 = tpu.memref_slice %dma_start3A_82[%dma_start3A_83, %dma_start3A_84] : memref<64x128xf32, #tpu.memory_space<vmem>> -> memref<32x128xf32, #tpu.memory_space<vmem>>
        %dma_start3A_86 = arith.constant 0 : i32
        %dma_start3A_87 = arith.constant 0 : i32
        %dma_start3A_88 = tpu.memref_slice %arg6[%run_scoped3A, %dma_start3A_86, %dma_start3A_87] : memref<2x64x128xf32, #tpu.memory_space<vmem>> -> memref<1x64x128xf32, #tpu.memory_space<vmem>>
        %dma_start3A_89 = tpu.memref_squeeze %dma_start3A_88 : memref<1x64x128xf32, #tpu.memory_space<vmem>> -> memref<64x128xf32, #tpu.memory_space<vmem>>
        %dma_start3A_90 = arith.constant 0 : i32
        %dma_start3A_91 = arith.constant 0 : i32
        %dma_start3A_92 = tpu.memref_slice %dma_start3A_89[%dma_start3A_90, %dma_start3A_91] : memref<64x128xf32, #tpu.memory_space<vmem>> -> memref<32x128xf32, #tpu.memory_space<vmem>>
        tpu.enqueue_dma source(%arg3 : memref<32x128xf32, #tpu.memory_space<hbm>>) target(%dma_start3A_92 : memref<32x128xf32, #tpu.memory_space<vmem>>) target_semaphore(%run_scoped3A_78 : memref<!tpu.dma_semaphore, #tpu.memory_space<semaphore_mem>>)
        %dma_wait3A_93 = arith.constant 0 : i32
        %dma_wait3A_94 = arith.constant 0 : i32
        %dma_wait3A_95 = tpu.memref_slice %arg6[%run_scoped3A, %dma_wait3A_93, %dma_wait3A_94] : memref<2x64x128xf32, #tpu.memory_space<vmem>> -> memref<1x64x128xf32, #tpu.memory_space<vmem>>
        %dma_wait3A_96 = tpu.memref_squeeze %dma_wait3A_95 : memref<1x64x128xf32, #tpu.memory_space<vmem>> -> memref<64x128xf32, #tpu.memory_space<vmem>>
        %dma_wait3A_97 = arith.constant 0 : i32
        %dma_wait3A_98 = arith.constant 0 : i32
        %dma_wait3A_99 = tpu.memref_slice %dma_wait3A_96[%dma_wait3A_97, %dma_wait3A_98] : memref<64x128xf32, #tpu.memory_space<vmem>> -> memref<32x128xf32, #tpu.memory_space<vmem>>
        %dma_wait3A_100 = arith.constant 0 : i32
        %dma_wait3A_101 = arith.constant 0 : i32
        %dma_wait3A_102 = tpu.memref_slice %arg6[%run_scoped3A, %dma_wait3A_100, %dma_wait3A_101] : memref<2x64x128xf32, #tpu.memory_space<vmem>> -> memref<1x64x128xf32, #tpu.memory_space<vmem>>
        %dma_wait3A_103 = tpu.memref_squeeze %dma_wait3A_102 : memref<1x64x128xf32, #tpu.memory_space<vmem>> -> memref<64x128xf32, #tpu.memory_space<vmem>>
        %dma_wait3A_104 = arith.constant 0 : i32
        %dma_wait3A_105 = arith.constant 0 : i32
        %dma_wait3A_106 = tpu.memref_slice %dma_wait3A_103[%dma_wait3A_104, %dma_wait3A_105] : memref<64x128xf32, #tpu.memory_space<vmem>> -> memref<32x128xf32, #tpu.memory_space<vmem>>
        tpu.wait_dma2 semaphore(%run_scoped3A_78 : memref<!tpu.dma_semaphore, #tpu.memory_space<semaphore_mem>>) src(%arg3 : memref<32x128xf32, #tpu.memory_space<hbm>>) dst(%dma_wait3A_106 : memref<32x128xf32, #tpu.memory_space<vmem>>)
        tpu.yield
      }) : () -> ()
      %run_scoped3A_77 = arith.constant 0 : i32
      "tpu.region"() ({
        %run_scoped3A_78 = tpu.sem_alloc : memref<!tpu.dma_semaphore, #tpu.memory_space<semaphore_mem>>
        %dma_start3A_79 = arith.constant 0 : i32
        %dma_start3A_80 = arith.constant 0 : i32
        %dma_start3A_81 = tpu.memref_slice %arg6[%run_scoped3A_77, %dma_start3A_79, %dma_start3A_80] : memref<2x64x128xf32, #tpu.memory_space<vmem>> -> memref<1x64x128xf32, #tpu.memory_space<vmem>>
        %dma_start3A_82 = tpu.memref_squeeze %dma_start3A_81 : memref<1x64x128xf32, #tpu.memory_space<vmem>> -> memref<64x128xf32, #tpu.memory_space<vmem>>
        %dma_start3A_83 = arith.constant 0 : i32
        %dma_start3A_84 = arith.constant 0 : i32
        %dma_start3A_85 = tpu.memref_slice %dma_start3A_82[%dma_start3A_83, %dma_start3A_84] : memref<64x128xf32, #tpu.memory_space<vmem>> -> memref<32x128xf32, #tpu.memory_space<vmem>>
        %dma_start3A_86 = arith.constant 499968 : i32
        %dma_start3A_87 = arith.constant 0 : i32
        %dma_start3A_88 = tpu.memref_slice %arg4[%dma_start3A_86, %dma_start3A_87] : memref<500000x128xf32, #tpu.memory_space<hbm>> -> memref<32x128xf32, #tpu.memory_space<hbm>>
        %dma_start3A_89 = arith.constant 499968 : i32
        %dma_start3A_90 = arith.constant 0 : i32
        %dma_start3A_91 = tpu.memref_slice %arg4[%dma_start3A_89, %dma_start3A_90] : memref<500000x128xf32, #tpu.memory_space<hbm>> -> memref<32x128xf32, #tpu.memory_space<hbm>>
        %dma_start3A_92 = arith.constant 0 : i32
        %dma_start3A_93 = arith.constant 0 : i32
        %dma_start3A_94 = tpu.memref_slice %arg6[%run_scoped3A_77, %dma_start3A_92, %dma_start3A_93] : memref<2x64x128xf32, #tpu.memory_space<vmem>> -> memref<1x64x128xf32, #tpu.memory_space<vmem>>
        %dma_start3A_95 = tpu.memref_squeeze %dma_start3A_94 : memref<1x64x128xf32, #tpu.memory_space<vmem>> -> memref<64x128xf32, #tpu.memory_space<vmem>>
        %dma_start3A_96 = arith.constant 0 : i32
        %dma_start3A_97 = arith.constant 0 : i32
        %dma_start3A_98 = tpu.memref_slice %dma_start3A_95[%dma_start3A_96, %dma_start3A_97] : memref<64x128xf32, #tpu.memory_space<vmem>> -> memref<32x128xf32, #tpu.memory_space<vmem>>
        tpu.enqueue_dma source(%dma_start3A_98 : memref<32x128xf32, #tpu.memory_space<vmem>>) target(%dma_start3A_91 : memref<32x128xf32, #tpu.memory_space<hbm>>) target_semaphore(%run_scoped3A_78 : memref<!tpu.dma_semaphore, #tpu.memory_space<semaphore_mem>>)
        %dma_wait3A_99 = arith.constant 0 : i32
        %dma_wait3A_100 = arith.constant 0 : i32
        %dma_wait3A_101 = tpu.memref_slice %arg6[%run_scoped3A_77, %dma_wait3A_99, %dma_wait3A_100] : memref<2x64x128xf32, #tpu.memory_space<vmem>> -> memref<1x64x128xf32, #tpu.memory_space<vmem>>
        %dma_wait3A_102 = tpu.memref_squeeze %dma_wait3A_101 : memref<1x64x128xf32, #tpu.memory_space<vmem>> -> memref<64x128xf32, #tpu.memory_space<vmem>>
        %dma_wait3A_103 = arith.constant 0 : i32
        %dma_wait3A_104 = arith.constant 0 : i32
        %dma_wait3A_105 = tpu.memref_slice %dma_wait3A_102[%dma_wait3A_103, %dma_wait3A_104] : memref<64x128xf32, #tpu.memory_space<vmem>> -> memref<32x128xf32, #tpu.memory_space<vmem>>
        %dma_wait3A_106 = arith.constant 499968 : i32
        %dma_wait3A_107 = arith.constant 0 : i32
        %dma_wait3A_108 = tpu.memref_slice %arg4[%dma_wait3A_106, %dma_wait3A_107] : memref<500000x128xf32, #tpu.memory_space<hbm>> -> memref<32x128xf32, #tpu.memory_space<hbm>>
        %dma_wait3A_109 = arith.constant 499968 : i32
        %dma_wait3A_110 = arith.constant 0 : i32
        %dma_wait3A_111 = tpu.memref_slice %arg4[%dma_wait3A_109, %dma_wait3A_110] : memref<500000x128xf32, #tpu.memory_space<hbm>> -> memref<32x128xf32, #tpu.memory_space<hbm>>
        %dma_wait3A_112 = arith.constant 0 : i32
        %dma_wait3A_113 = arith.constant 0 : i32
        %dma_wait3A_114 = tpu.memref_slice %arg6[%run_scoped3A_77, %dma_wait3A_112, %dma_wait3A_113] : memref<2x64x128xf32, #tpu.memory_space<vmem>> -> memref<1x64x128xf32, #tpu.memory_space<vmem>>
        %dma_wait3A_115 = tpu.memref_squeeze %dma_wait3A_114 : memref<1x64x128xf32, #tpu.memory_space<vmem>> -> memref<64x128xf32, #tpu.memory_space<vmem>>
        %dma_wait3A_116 = arith.constant 0 : i32
        %dma_wait3A_117 = arith.constant 0 : i32
        %dma_wait3A_118 = tpu.memref_slice %dma_wait3A_115[%dma_wait3A_116, %dma_wait3A_117] : memref<64x128xf32, #tpu.memory_space<vmem>> -> memref<32x128xf32, #tpu.memory_space<vmem>>
        tpu.wait_dma2 semaphore(%run_scoped3A_78 : memref<!tpu.dma_semaphore, #tpu.memory_space<semaphore_mem>>) src(%dma_wait3A_118 : memref<32x128xf32, #tpu.memory_space<vmem>>) dst(%dma_wait3A_111 : memref<32x128xf32, #tpu.memory_space<hbm>>)
        tpu.yield
      }) : () -> ()
    } else {
    }
    return
  }
}

</mosaic_0001>

<sc_bundles>
// kernel: _sc_relayout.3.cloned.1.call-start
scs
__scs_entry_jumppad:
0x0: {  	(pc) =	sbr.rel $0x88, $3  }
0x1: {  	(tag) =	ssettag $0x0;
	lr =	simm.s32 $0x1  }
0x2: {  	[smem:$0x3F9F] =	sst lr;
	_ =	strace $0xD0000000  }
0x3: {  	_ = 	snop  }
0x4: {  	_ = 	snop  }
0x5: {  	_ = 	snop  }
0x6: {  	_ = 	snop  }
0x7: {  	_ = 	snop  }
__scs_overlays_trampoline_lowered:
0x8: {  	[smem:$0x3FAE] =	sst s0  }
0x9: {  	[smem:$0x3FAF] =	sst s1  }
0xa: {  	[smem:$0x3FB0] =	sst s2  }
0xb: {  	[smem:$0x3FB1] =	sst s3  }
0xc: {  	[smem:$0x3FB2] =	sst s4  }
0xd: {  	[smem:$0x3FB3] =	sst s5  }
0xe: {  	[smem:$0x3FB4] =	sst s6  }
0xf: {  	[smem:$0x3FB5] =	sst s7  }
0x10: {  	[smem:$0x3FB6] =	sst s8  }
0x11: {  	[smem:$0x3FB7] =	sst s9;
	s0 =	simm.s32 @!p0 $0x0  }
0x12: {  	s1 =	sld [smem:$0x3F9D];
	s0 =	simm.s32 @p0 $0x1  }
0x13: {  	[smem:$0x3FB8] =	sst s0;
	s0 =	simm.s32 @!p1 $0x0  }
0x14: {  	s2 =	sld [smem:$0x3F9C];
	s0 =	simm.s32 @p1 $0x1  }
0x15: {  	[smem:$0x3FB9] =	sst s0;
	s0 =	simm.s32 @!p2 $0x0  }
0x16: {  	s3 =	sld [smem:$0x3FDB];
	s0 =	simm.s32 @p2 $0x1  }
0x17: {  	s4 =	simm.s32 $0x1BF5;
	[smem:$0x3FBB] =	sst s0  }
0x18: {  	s0 =	sld [smem:$0x3F9E];
	_ =	swait.ge [sflag:s4], $0x0  }
0x19: {  	s7 =	sld [smem:$0x3F9F]  }
0x1a: {  	s8 =	sadd.s32 $0xFFFFE003, lr  }
0x1b: {  	s9 =	sadd.s32 $0xFFFFFEF7, lr;
	s5 =	simm.s32 $0xFFFFFFFF;
	p2 =	slt.u32 s8, $0xFFFFF086  }
0x1c: {  	p1 =	slt.u32 s9, $0xF7A;
	s5 =	simm.s32 @!p2 $0x0  }
0x1d: {  	s5 =	simm.s32 @p1 $0x1;
	p0 =	seq.s32 s7, s2  }
0x1e: {  	s7 =	smul.u32 @!p0 $0xF7A, s2;
	p2 =	seq.s32 @!p0 s5, $0x0  }
0x1f: {  	s9 =	smul.u32 $0xF7A, s1;
	s8 =	simm.s32 @!p0 $0x1BF5;
	p2 =	por !p2, p0  }
0x20: {  	[sflag:s8] =	ssyncset.s32 @!p0 $0xFFFFF086;
	s6 =	sadd.s32 @!p0 s3, s7;
	s7 =	simm.s32 @!p0 $0x108  }
0x21: {  	s3 =	sadd.s32 s3, s9;
	s6 =	sadd.s32 @!p0 $0x88, s6;
	s7 =	simm.s32 @p2 $0x1082  }
0x22: {  	[simem:s7], [sflag:s8] =	dma.local @!p0 [hbm:s6], $0xF7A  }
0x23: {  	s9 =	sor.u32 $0xD0000000, s2;
	s6 =	simm.s32 $0x108;
	_ =	swait.ge @!p0 [sflag:s8], $0x0  }
0x24: {  	s3 =	sadd.s32 $0x88, s3;
	s6 =	simm.s32 @!p1 $0x1082;
	[sflag:s4] =	ssyncset.s32 $0xFFFFF086  }
0x25: {  	[simem:s6], [sflag:s4] =	dma.local [hbm:s3], $0xF7A  }
0x26: {  	[smem:$0x3F9F] =	sst s1;
	(tag) =	ssettag s2;
	_ =	strace s9  }
0x27: {  	s1 =	sld [smem:$0x3FAF]  }
0x28: {  	s2 =	sld [smem:$0x3FB0]  }
0x29: {  	s4 =	sld [smem:$0x3FB2]  }
0x2a: {  	p0 =	seq.s32 s5, $0x0;
	s5 =	sld [smem:$0x3FB3]  }
0x2b: {  	s6 =	sld [smem:$0x3FB4]  }
0x2c: {  	s7 =	sld [smem:$0x3FB5]  }
0x2d: {  	s3 =	simm.s32 $0x108;
	s8 =	sld [smem:$0x3FB6]  }
0x2e: {  	s3 =	simm.s32 @!p0 $0x1082;
	s9 =	sld [smem:$0x3FB7]  }
0x2f: {  	lr =	sadd.s32 s0, s3;
	s0 =	sld [smem:$0x3FAE]  }
0x30: {  	s3 =	sld [smem:$0x3FB1]  }
0x31: {  	[smem:$0x3FBA] =	sst s10  }
0x32: {  	s10 =	sld [smem:$0x3FB8];
	_ =	sdelay $0x3  }
0x33: {  	p0 =	seq.s32 s10, $0x1;
	s10 =	sld [smem:$0x3FBA];
	_ =	sdelay $0x3  }
0x34: {  	[smem:$0x3FBA] =	sst s10  }
0x35: {  	s10 =	sld [smem:$0x3FB9];
	_ =	sdelay $0x3  }
0x36: {  	p1 =	seq.s32 s10, $0x1;
	s10 =	sld [smem:$0x3FBA];
	_ =	sdelay $0x3  }
0x37: {  	[smem:$0x3FBA] =	sst s10  }
0x38: {  	s10 =	sld [smem:$0x3FBB]  }
0x39: {  	_ = 	snop;
	(pc) =	sbr.ind lr, $3  }
0x3a: {  	_ = 	snop  }
0x3b: {  	_ = 	snop  }
0x3c: {  	p2 =	seq.s32 s10, $0x1;
	s10 =	sld [smem:$0x3FBA]  }
0x3d: {  	_ =	shalt  }
0x3e: {  	_ =	shalt  }
0x3f: {  	_ =	shalt  }
0x40: {  	_ =	shalt  }
0x41: {  	_ =	shalt  }
0x42: {  	_ =	shalt  }
0x43: {  	_ =	shalt  }
0x44: {  	_ =	shalt  }
0x45: {  	_ =	shalt  }
0x46: {  	_ =	shalt  }
0x47: {  	_ =	shalt  }
0x48: {  	_ =	shalt  }
0x49: {  	_ =	shalt  }
0x4a: {  	_ =	shalt  }
0x4b: {  	_ =	shalt  }
0x4c: {  	_ =	shalt  }
0x4d: {  	_ =	shalt  }
0x4e: {  	_ =	shalt  }
0x4f: {  	_ =	shalt  }
0x50: {  	_ =	shalt  }
0x51: {  	_ =	shalt  }
0x52: {  	_ =	shalt  }
0x53: {  	_ =	shalt  }
0x54: {  	_ =	shalt  }
0x55: {  	_ =	shalt  }
0x56: {  	_ =	shalt  }
0x57: {  	_ =	shalt  }
0x58: {  	_ =	shalt  }
0x59: {  	_ =	shalt  }
0x5a: {  	_ =	shalt  }
0x5b: {  	_ =	shalt  }
0x5c: {  	_ =	shalt  }
0x5d: {  	_ =	shalt  }
0x5e: {  	_ =	shalt  }
0x5f: {  	_ =	shalt  }
0x60: {  	_ =	shalt  }
0x61: {  	_ =	shalt  }
0x62: {  	_ =	shalt  }
0x63: {  	_ =	shalt  }
0x64: {  	_ =	shalt  }
0x65: {  	_ =	shalt  }
0x66: {  	_ =	shalt  }
0x67: {  	_ =	shalt  }
0x68: {  	_ =	shalt  }
0x69: {  	_ =	shalt  }
0x6a: {  	_ =	shalt  }
0x6b: {  	_ =	shalt  }
0x6c: {  	_ =	shalt  }
0x6d: {  	_ =	shalt  }
0x6e: {  	_ =	shalt  }
0x6f: {  	_ =	shalt  }
0x70: {  	_ =	shalt  }
0x71: {  	_ =	shalt  }
0x72: {  	_ =	shalt  }
0x73: {  	_ =	shalt  }
0x74: {  	_ =	shalt  }
0x75: {  	_ =	shalt  }
0x76: {  	_ =	shalt  }
0x77: {  	_ =	shalt  }
0x78: {  	_ =	shalt  }
0x79: {  	_ =	shalt  }
0x7a: {  	_ =	shalt  }
0x7b: {  	_ =	shalt  }
0x7c: {  	_ =	shalt  }
0x7d: {  	_ =	shalt  }
0x7e: {  	_ =	shalt  }
0x7f: {  	_ =	shalt  }
0x80: {  	_ =	shalt  }
0x81: {  	_ =	shalt  }
0x82: {  	_ =	shalt  }
0x83: {  	_ =	shalt  }
0x84: {  	_ =	shalt  }
0x85: {  	_ =	shalt  }
0x86: {  	_ =	shalt  }
0x87: {  	_ =	shalt  }
.Lfunc_end0:
.L_simem_size_0:
called_computation_lowered:
.L_overlay_start_0:
0x88: {  	s2 =	sld [smem:$0x3FD9]  }
0x89: {  	s3 =	sld [smem:$0x3FFE];
	_ =	sdelay $0x1  }
0x8a: {  	s1 =	srdreg.scid  }
0x8b: {  	s0 =	sand.u32 $0x1, s1  }
0x8c: {  	s18 =	sshll.u32 s0, $0xA;
	s2 =	sadd.s32 s3, s2  }
0x8d: {  	s2 =	sadd.s32 s2, s18  }
0x8e: {  	[smem:$0x3FC6] =	sst s2  }
0x8f: {  	_ = 	snop  }
0x90: {  	s2 =	sld [smem:$0x3FC9]  }
0x91: {  	s19 =	sld [smem:$0x3FC8]  }
0x92: {  	s4 =	sld [smem:$0x3FD0];
	(tm) =	ssettm $0x1  }
0x93: {  	s5 =	sld [smem:$0x3FFB];
	_ =	sdelay $0x3  }
0x94: {  	_ =	strace s5  }
0x95: {  	s5 =	sld [smem:$0x3FFC];
	_ =	sdelay $0x3  }
0x96: {  	_ =	strace s5  }
0x97: {  	s5 =	sld [smem:$0x3FFD];
	_ =	sdelay $0x3  }
0x98: {  	_ =	strace s5  }
0x99: {  	_ =	strace $0x8FFFFFFF  }
0x9a: {  	s20 =	sld [smem:$0x3FDB];
	_ =	sdelay $0x1  }
0x9b: {  	s6 =	simm.s32 $_scs_section_size  }
0x9c: {  	s7 =	simm.s32 $_size__tile_overlayer_lowered;
	s8 =	simm.s32 $_tile_overlayer_lowered  }
0x9d: {  	s23 =	simm.s32 $0x1BFF;
	s22 =	sshll.u32 s8, $0x1;
	s5 =	sadd.s32 s6, s20  }
0x9e: {  	s9 =	simm.s32 $0x0;
	s21 =	sshll.u32 s7, $0x1;
	s7 =	sadd.s32 s22, s5  }
0x9f: {  	[timem:s9], [sflag:s23] =	dma.local [hbm:s7], s21  }
0xa0: {  	_ =	swait.ge [sflag:s23], s21  }
0xa1: {  	s6 =	ssub.s32 $0x0, s21;
	[sflag:s23] =	ssyncset.done $0x0  }
0xa2: {  	[sflag:s23] =	ssyncadd.s32 s6;
	_ =	sdelay $0x1  }
0xa3: {  	s24 =	simm.s32 $0x1B8B  }
0xa4: {  	_ =	swait.ge [sflag:s24], $0x1  }
0xa5: {  	[sflag:s24] =	ssyncset.done $0x0  }
0xa6: {  	s25 =	simm.s32 $0x1B8E;
	[sflag:s24] =	ssyncadd.s32 $0xFFFFFFFF  }
0xa7: {  	s26 =	simm.s32 $execute0_lowered;
	[smem:$0x3FD2] =	sst s25  }
0xa8: {  	s6 =	sshll.u32 s26, $0x1;
	_ =	strace $0x80000046;
	[dreg:$0x1] =	wrdreg $0xFFFFFFFF  }
0xa9: {  	s28 =	simm.s32 $_size_execute0_lowered;
	s5 =	sadd.s32 s5, s6;
	[dreg:$0x0] =	wrdreg $0x0  }
0xaa: {  	s6 =	sshll.u32 s28, $0x1;
	[dreg:$0x2] =	wrdreg s5  }
0xab: {  	[dreg:$0x3] =	wrdreg s6  }
0xac: {  	[dreg:$0x4] =	wrdreg $0xC0  }
0xad: {  	_ =	task [dreg:s9], $0x5FFFF  }
0xae: {  	[dreg:$0x1] =	wrdreg $0xFFFFFFFF  }
0xaf: {  	[dreg:$0x0] =	wrdreg $0x60  }
0xb0: {  	[dreg:$0x2] =	wrdreg s2  }
0xb1: {  	[dreg:$0x3] =	wrdreg s19  }
0xb2: {  	[dreg:$0x4] =	wrdreg s4  }
0xb3: {  	[dreg:$0x5] =	wrdreg $0x9  }
0xb4: {  	_ =	task.clear_ibuf [dreg:s9], $0x6FFFF;
	_ =	strace $0x90000046  }
0xb5: {  	s29 =	simm.s32 $0x9;
	_ =	strace $0x80000048  }
0xb6: {  	_ =	swait.ge [sflag:s29], $0x1  }
0xb7: {  	[sflag:s29] =	ssyncadd.s32 $0xFFFFFFFF  }
0xb8: {  	_ =	strace $0x90000048  }
0xb9: {  	_ =	sfence  }
0xba: {  	s30 =	sld [smem:$0x0];
	_ =	sdelay $0x2  }
0xbb: {  	s31 =	sshll.u32 s1, $0xD;
	s1 =	sshrl.u32 s1, $0x2  }
0xbc: {  	s3 =	sand.u32 $0x4000, s31;
	s1 =	sadd.s32 s1, s30  }
0xbd: {  	s0 =	sor.u32 s3, s0;
	s1 =	sshll.u32 s1, $0x11  }
0xbe: {  	s0 =	sor.u32 s1, s0  }
0xbf: {  	s0 =	sadd.s32 $0x8F2B, s0  }
0xc0: {  	[sflag:s0] =	ssyncadd.remote.s32 $0x1  }
0xc1: {  	_ =	sfence.sel $0xFFFF  }
0xc2: {  	[dreg:$0x0] =	wrdreg $0xFFFFFFFF;
	(pc) =	sbr.abs _section_cstart, $3  }
0xc3: {  	[dreg:$0x1] =	wrdreg $0xFFFFFFFF  }
0xc4: {  	_ =	task.clear_ibuf [dreg:s9], $0x2FFFF;
	_ =	strace $0x9FFFFFFF  }
0xc5: {  	(tm) =	ssettm $0x7FFFFFFF  }
tec
execute0_lowered:
.L_overlay_start_1:
0x0: {  	(tag) =	ssettag $0x1  }
0x1: {  	s0 =	rddreg [dreg:$0x0]  }
0x2: {  	s2 =	rddreg [dreg:$0x2]  }
0x3: {  	s1 =	srdreg.scid;
	s3 =	simm.s32 $0x0;
	s4 =	stileid.u32  }
0x4: {  	s21 =	simm.s32 $0x8000;
	s1 =	sand.u32 $0x1, s1;
	[smem:$0x7FF] =	sst s3  }
0x5: {  	s6 =	sshll.u32 s4, $0x1;
	p0 =	slt.u32 s4, $0x2;
	s29 =	sadd.s32 $0x7A1000, s2  }
0x6: {  	s24 =	ssub.s32 $0x2, s1;
	_ =	strace $0x80000047;
	s25 =	sor.u32 s1, s6  }
0x7: {  	s6 =	simm.s32 $0xF3;
	[dreg:$0xb] =	wrdreg s29;
	s5 =	sshrl.u32 s24, $0x1  }
0x8: {  	s1 =	sshll.u32 s25, $0x7;
	s6 =	simm.s32 @!p0 $0xF2;
	[dreg:$0x6] =	wrdreg s25  }
0x9: {  	s7 =	sshll.u32 s25, $0xA;
	s31 =	sor.u32 $0x20, s25;
	[dreg:$0x7] =	wrdreg s6  }
.Ltmp0:
0xa: {  	s1 =	sadd.s32 s0, s1;
	[dreg:$0xd] =	wrdreg s31;
	(pc) =	sbr.rel .LBB2_1-.Ltmp0, $4  }
0xb: {  	s26 =	sadd.s32 s7, s2;
	s0 =	sadd.s32 $0x1000, s0;
	[dreg:$0x8] =	wrdreg s1  }
0xc: {  	v0 =	vlaneseq.u32;
	s3 =	ssub.s32 s24, s5;
	[dreg:$0x9] =	wrdreg s0;
	s28 =	sadd.s32 $0x7A0000, s26  }
0xd: {  	v1 =	vmul.u32 $0x81, v0;
	p0 =	sgt.u32 s4, $0x1;
	s30 =	smax.u32 s3, $0x1;
	[dreg:$0xa] =	wrdreg s28  }
0xe: {  	p1 =	sne.s32 s25, $0x0;
	s4 =	simm.s32 $0x0;
	[dreg:$0xc] =	wrdreg s30  }
.LBB2_17:
0xf: {  	s0 =	simm.s32 $0x3  }
0x10: {  	_ =	swait.ge [sflag:s0], $0x2000  }
0x11: {  	[sflag:s0] =	ssyncset.done $0x0  }
0x12: {  	s30 =	simm.s32 $0x4;
	[sflag:s0] =	ssyncadd.s32 $0xFFFFE000  }
0x13: {  	_ =	swait.ge [sflag:s30], $0x2000  }
0x14: {  	[sflag:s30] =	ssyncset.done $0x0  }
0x15: {  	[sflag:s30] =	ssyncadd.s32 $0xFFFFE000  }
0x16: {  	s1 =	simm.s32 @!p1 $0x4000;
	s0 =	simm.s32 @!p1 $0x0;
	s2 =	rddreg [dreg:$0x1]  }
0x17: {  	[tilespmem:s1], [sflag:$0x5] =	stream.linear.gather @!p1 [hbm4b:s2+s0], $0x1000, $0x38;
	[tilespmem:$0xA080] =	vst v63  }
0x18: {  	s2 =	simm.s32 @!p1 $0x5  }
0x19: {  	_ =	swait.ge @!p1 [sflag:s2], $0x1000  }
0x1a: {  	[sflag:s2] =	ssyncset.done @!p1 $0x0  }
0x1b: {  	s3 =	rddreg [dreg:$0xb];
	[sflag:s2] =	ssyncadd.s32 @!p1 $0xFFFFF000  }
0x1c: {  	[hbm4b:s3+s0] =	stream.linear.scatter @!p1 [tilespmem:s1], [sflag:$0x5], $0x1000, $0x38;
	[tilespmem:$0xA080] =	vst v63  }
0x1d: {  	_ =	swait.ge @!p1 [sflag:s2], $0x1000  }
0x1e: {  	s4 =	sadd.s32 $0x1, s4;
	s31 =	rddreg [dreg:$0xc]  }
0x1f: {  	p2 =	sne.s32 s4, s31  }
.Ltmp1:
0x20: {  	_ = 	snop;
	(pc) =	sbr.rel @!p2 .LBB2_18-.Ltmp1, $3  }
0x21: {  	_ =	sdelay $0x1  }
0x22: {  	[sflag:s2] =	ssyncset.done @!p1 $0x0  }
0x23: {  	[sflag:s2] =	ssyncadd.s32 @!p1 $0xFFFFF000  }
.LBB2_1:
0x24: {  	[dreg:$0xe] =	wrdreg s4  }
0x25: {  	s0 =	simm.s32 $0x0;
	s1 =	rddreg [dreg:$0x8]  }
0x26: {  	s2 =	simm.s32 $0x400;
	s3 =	simm.s32 $0x7A1400;
	s24 =	simm.s32 $0x0  }
0x27: {  	[tilespmem:s0], [sflag:$0x1] =	stream.strided.gather [hbm4b:s1+s2], $0x2000, s3, s2, $0x38;
	[tilespmem:$0xA080] =	vst v63  }
.LBB2_2:
0x28: {  	s1 =	sshll.u32 s24, $0x6;
	s0 =	rddreg [dreg:$0x6]  }
0x29: {  	s13 =	rddreg [dreg:$0x9];
	s14 =	simm.s32 $0x400;
	s2 =	simm.s32 $0x7A1400  }
0x2a: {  	s3 =	simm.s32 $0x2000;
	s15 =	simm.s32 $0x1;
	p2 =	seq.s32 s24, $0x0  }
0x2b: {  	s31 =	simm.s32 $0x0;
	[dreg:$0x10] =	wrdreg s1;
	s0 =	sor.u32 s0, s1  }
0x2c: {  	s30 =	simm.s32 $0x0;
	s11 =	sand.u32 $0x30, s31;
	[dreg:$0x12] =	wrdreg s0  }
0x2d: {  	s0 =	sshll.u32 s0, $0x7;
	s9 =	sshll.u32 s11, $0x7;
	s7 =	sor.u32 $0x4, s11  }
0x2e: {  	s1 =	sor.u32 $0xF, s11;
	s18 =	sor.u32 $0x7, s11;
	s20 =	sor.u32 $0x8, s11  }
0x2f: {  	s28 =	sor.u32 $0xB, s11;
	s29 =	sor.u32 $0x9, s11;
	s10 =	sor.u32 $0xA, s11  }
0x30: {  	s19 =	sor.u32 $0xC, s11;
	s5 =	sor.u32 $0x6, s11;
	s6 =	sor.u32 $0xD, s11  }
0x31: {  	s12 =	sor.u32 $0xE, s11;
	s0 =	sadd.s32 s0, s13;
	s13 =	sor.u32 $0x1, s11  }
0x32: {  	s16 =	sshll.u32 s18, $0x7;
	s25 =	sshll.u32 s6, $0x7;
	s18 =	smul.u32 $0x81, s18  }
0x33: {  	s4 =	sshll.u32 s19, $0x7;
	s6 =	smul.u32 $0x81, s6;
	s8 =	sshll.u32 s28, $0x7  }
0x34: {  	[tilespmem:s3], [sflag:$0x2] =	stream.strided.gather [hbm4b:s0+s14], $0x2000, s2, s14, $0x38;
	[tilespmem:$0xA080] =	vst v63  }
0x35: {  	s0 =	simm.s32 @!p2 $0x3;
	s14 =	sor.u32 $0x2, s11;
	_ =	swait.ge [sflag:s15], $0x2000  }
0x36: {  	s3 =	sor.u32 $0x3, s11;
	s2 =	smul.u32 $0x81, s19;
	[sflag:s15] =	ssyncset.done $0x0  }
0x37: {  	s19 =	sshll.u32 s12, $0x7;
	s12 =	smul.u32 $0x81, s12;
	[sflag:s15] =	ssyncadd.s32 $0xFFFFE000  }
0x38: {  	s26 =	sshll.u32 s14, $0x7;
	s14 =	smul.u32 $0x81, s14;
	_ =	swait.ge @!p2 [sflag:s0], $0x2000  }
0x39: {  	s15 =	sor.u32 $0x5, s11;
	s11 =	smul.u32 $0x81, s11;
	[sflag:s0] =	ssyncset.done @!p2 $0x0  }
0x3a: {  	s22 =	sshll.u32 s15, $0x7;
	[sflag:s0] =	ssyncadd.s32 @!p2 $0xFFFFE000;
	s0 =	sand.u32 $0x70, s30  }
0x3b: {  	s17 =	sor.u32 s0, s9;
	s23 =	sor.u32 s0, s16;
	s9 =	smul.u32 $0x81, s15  }
0x3c: {  	s22 =	sor.u32 s0, s22;
	s15 =	sor.u32 s0, s25;
	s18 =	sadd.s32 s0, s18  }
0x3d: {  	s19 =	sor.u32 s0, s19;
	s11 =	sadd.s32 s0, s11;
	s16 =	sshll.u32 s13, $0x7;
	v2 =	vld [tilespmem:s22+$0x0]  }
0x3e: {  	s13 =	smul.u32 $0x81, s13;
	s4 =	sor.u32 s0, s4;
	s2 =	sadd.s32 s0, s2;
	v3 =	vld [tilespmem:s23+$0x0]  }
0x3f: {  	s22 =	smul.u32 $0x81, s28;
	v5 =	vld [tilespmem:s17+$0x0];
	[dreg:$0xf] =	wrdreg s24;
	s28 =	sshll.u32 s24, $0x1  }
0x40: {  	s6 =	sadd.s32 s0, s6;
	s8 =	sor.u32 s0, s8;
	[dreg:$0x13] =	wrdreg s28  }
0x41: {  	s25 =	sadd.s32 s0, s12;
	v6 =	vadd.s32 s18, v0;
	s18 =	sshll.u32 s20, $0x7;
	s23 =	smul.u32 $0x81, s20;
	v8 =	vld [tilespmem:s19+$0x0]  }
0x42: {  	v9 =	vor.u32 s11, v0;
	s17 =	sor.u32 s0, s26;
	s24 =	sshll.u32 s5, $0x7;
	s5 =	smul.u32 $0x81, s5;
	v10 =	vld [tilespmem:s15+$0x0]  }
0x43: {  	v12 =	vadd.s32 s6, v0;
	s26 =	sadd.s32 s0, s14;
	v13 =	vadd.s32 s25, v0;
	s20 =	sor.u32 s0, s16;
	s25 =	smul.u32 $0x81, s3;
	v4 =	vld [tilespmem:s8+$0x0]  }
0x44: {  	s3 =	sshll.u32 s3, $0x7;
	s28 =	smul.u32 $0x81, s29;
	s11 =	sor.u32 s0, s18;
	v14 =	vld [tilespmem:s17+$0x0]  }
0x45: {  	s13 =	sadd.s32 s0, s13;
	v15 =	vadd.s32 s26, v0;
	s19 =	sshll.u32 s29, $0x7;
	s14 =	sadd.s32 s0, s23;
	v18 =	vld [tilespmem:s11+$0x0]  }
0x46: {  	s18 =	sor.u32 s0, s24;
	v7 =	vld [tilespmem:s4+$0x0];
	s15 =	sor.u32 s0, s19;
	s12 =	sadd.s32 s0, s28;
	v19 =	vadd.s32 s14, v0;
	[tilespmem:v6+s21+$0x0] =	vst.idx.msk $0xffff, v3  }
0x47: {  	s9 =	sadd.s32 s0, s9;
	s17 =	smul.u32 $0x81, s7;
	s7 =	sshll.u32 s7, $0x7;
	v16 =	vld [tilespmem:s15+$0x0];
	v17 =	vadd.s32 s12, v0;
	[tilespmem:v9+s21+$0x0] =	vst.idx.msk $0xffff, v5  }
0x48: {  	v11 =	vld [tilespmem:s20+$0x0];
	s19 =	sshll.u32 s10, $0x7;
	s10 =	smul.u32 $0x81, s10;
	s26 =	sor.u32 s0, s7;
	[tilespmem:v12+s21+$0x0] =	vst.idx.msk $0xffff, v10  }
0x49: {  	s24 =	sadd.s32 s0, s22;
	s8 =	sadd.s32 s0, s17;
	s23 =	sor.u32 s0, s19;
	v3 =	vadd.s32 s2, v0;
	v6 =	vadd.s32 s13, v0;
	v9 =	vld [tilespmem:s26+$0x0];
	[tilespmem:v13+s21+$0x0] =	vst.idx.msk $0xffff, v8  }
0x4a: {  	s3 =	sor.u32 s0, s3;
	s28 =	smul.u32 $0x81, s1;
	s10 =	sadd.s32 s0, s10;
	v5 =	vadd.s32 s8, v0;
	v8 =	vld [tilespmem:s23+$0x0];
	v13 =	vadd.s32 s24, v0;
	[tilespmem:v15+s21+$0x0] =	vst.idx.msk $0xffff, v14  }
0x4b: {  	s5 =	sadd.s32 s0, s5;
	s1 =	sshll.u32 s1, $0x7;
	s2 =	sadd.s32 s0, s25;
	v14 =	vld [tilespmem:s18+$0x0];
	v12 =	vadd.s32 s9, v0;
	v10 =	vadd.s32 s10, v0;
	[tilespmem:v19+s21+$0x0] =	vst.idx.msk $0xffff, v18  }
0x4c: {  	s29 =	simm.s32 $0x4080;
	s1 =	sor.u32 s0, s1;
	v15 =	vld [tilespmem:s3+$0x0];
	s3 =	sadd.s32 s0, s28;
	[tilespmem:v17+s21+$0x0] =	vst.idx.msk $0xffff, v16;
	v17 =	vadd.s32 s5, v0;
	v16 =	vadd.s32 s2, v0  }
.LBB2_3:
0x4d: {  	s31 =	sadd.s32 $0x10, s31  }
0x4e: {  	s30 =	sadd.s32 $0x4, s30;
	s2 =	sand.u32 $0x30, s31;
	p3 =	slt.u32 s31, $0x1F0  }
0x4f: {  	s4 =	sshll.u32 s2, $0x7;
	s14 =	sor.u32 $0x1, s2;
	s22 =	sor.u32 $0x2, s2  }
0x50: {  	s7 =	sor.u32 $0x4, s2;
	s5 =	sor.u32 $0x5, s2;
	s10 =	sor.u32 $0xF, s2  }
0x51: {  	s9 =	sor.u32 $0x3, s2;
	s6 =	sor.u32 $0x7, s2;
	s15 =	sor.u32 $0x8, s2  }
0x52: {  	s16 =	sor.u32 $0xB, s2;
	s13 =	sor.u32 $0x9, s2;
	s11 =	sor.u32 $0xA, s2  }
0x53: {  	s19 =	sor.u32 $0xC, s2;
	s18 =	sor.u32 $0x6, s2;
	s28 =	sor.u32 $0xD, s2  }
0x54: {  	s25 =	sor.u32 $0xE, s2;
	s2 =	smul.u32 $0x81, s2;
	s8 =	sshll.u32 s6, $0x7  }
0x55: {  	s23 =	sshll.u32 s15, $0x7;
	s12 =	sshll.u32 s5, $0x7;
	s0 =	smul.u32 $0x81, s5  }
0x56: {  	s5 =	sshll.u32 s13, $0x7;
	s26 =	sshll.u32 s28, $0x7;
	s20 =	sshll.u32 s14, $0x7  }
0x57: {  	s24 =	sshll.u32 s19, $0x7;
	s6 =	smul.u32 $0x81, s6;
	[tilespmem:v13+s21+$0x0] =	vst.idx.msk $0xffff, v4;
	v4 =	vadd.s32 s3, v0;
	s3 =	sand.u32 $0x70, s30  }
0x58: {  	s17 =	sshll.u32 s25, $0x7;
	[tilespmem:v6+s21+$0x0] =	vst.idx.msk $0xffff, v11;
	v6 =	vld [tilespmem:s1+$0x0];
	s1 =	smul.u32 $0x81, s16;
	s4 =	sor.u32 s3, s4  }
0x59: {  	[tilespmem:v12+s21+$0x0] =	vst.idx.msk $0xffff, v2;
	s8 =	sor.u32 s3, s8;
	[dreg:$0x4] =	wrdreg s0;
	s12 =	sor.u32 s3, s12  }
0x5a: {  	s0 =	sshll.u32 s22, $0x7;
	s6 =	sadd.s32 s3, s6;
	v2 =	vld [tilespmem:s12+$0x0];
	s12 =	smul.u32 $0x81, s19  }
0x5b: {  	[tilespmem:v3+s21+$0x0] =	vst.idx.msk $0xffff, v7;
	s26 =	sor.u32 s3, s26;
	s17 =	sor.u32 s3, s17;
	v7 =	vadd.s32 s6, v0;
	s6 =	smul.u32 $0x81, s28  }
0x5c: {  	[tilespmem:v5+s21+$0x0] =	vst.idx.msk $0xffff, v9;
	s2 =	sadd.s32 s3, s2;
	s5 =	sor.u32 s3, s5;
	v5 =	vld [tilespmem:s8+$0x0];
	s28 =	smul.u32 $0x81, s14  }
0x5d: {  	[tilespmem:v10+s21+$0x0] =	vst.idx.msk $0xffff, v8;
	s19 =	sshll.u32 s18, $0x7;
	v8 =	vld [tilespmem:s4+$0x0];
	s14 =	sshll.u32 s16, $0x7;
	s16 =	smul.u32 $0x81, s25  }
0x5e: {  	v9 =	vor.u32 s2, v0;
	s4 =	sor.u32 s3, s24;
	v10 =	vld [tilespmem:s17+$0x0];
	s17 =	smul.u32 $0x81, s22;
	s0 =	sor.u32 s3, s0  }
0x5f: {  	v11 =	vld [tilespmem:s26+$0x0];
	s22 =	smul.u32 $0x81, s15;
	s26 =	sor.u32 s3, s23;
	s1 =	sadd.s32 s3, s1  }
0x60: {  	[tilespmem:v17+s21+$0x0] =	vst.idx.msk $0xffff, v14;
	v18 =	vld [tilespmem:s26+$0x0];
	s26 =	smul.u32 $0x81, s10;
	s12 =	sadd.s32 s3, s12;
	s6 =	sadd.s32 s3, s6  }
0x61: {  	[tilespmem:v16+s21+$0x0] =	vst.idx.msk $0xffff, v15;
	v16 =	vld [tilespmem:s5+$0x0];
	s2 =	sadd.s32 s3, s28;
	s24 =	sadd.s32 s3, s16;
	s28 =	smul.u32 $0x81, s13;
	v12 =	vadd.s32 s6, v0  }
0x62: {  	v14 =	vld [tilespmem:s0+$0x0];
	s25 =	sadd.s32 s3, s17;
	s13 =	smul.u32 $0x81, s18;
	s18 =	sshll.u32 s11, $0x7;
	[tilespmem:v4+s21+$0x0] =	vst.idx.msk $0xffff, v6;
	v15 =	vadd.s32 s24, v0  }
0x63: {  	s11 =	smul.u32 $0x81, s11;
	v3 =	vadd.s32 s12, v0;
	s12 =	sor.u32 s3, s14;
	v6 =	vadd.s32 s2, v0;
	s2 =	sadd.s32 s3, s22;
	[tilespmem:v9+s21+$0x0] =	vst.idx.msk $0xffff, v8;
	v8 =	vadd.s32 s25, v0  }
0x64: {  	s23 =	sshll.u32 s7, $0x7;
	s14 =	smul.u32 $0x81, s7;
	v4 =	vld [tilespmem:s12+$0x0];
	v19 =	vadd.s32 s2, v0;
	s16 =	sadd.s32 s3, s28  }
0x65: {  	s15 =	sor.u32 s3, s19;
	s22 =	smul.u32 $0x81, s9;
	[tilespmem:v7+s21+$0x0] =	vst.idx.msk $0xffff, v5;
	v20 =	vadd.s32 s16, v0;
	v7 =	vld [tilespmem:s4+$0x0];
	s25 =	sor.u32 s3, s23  }
.Ltmp2:
0x66: {  	s19 =	rddreg [dreg:$0x4];
	s17 =	sor.u32 s3, s20;
	v9 =	vld [tilespmem:s25+$0x0];
	[tilespmem:v12+s21+$0x0] =	vst.idx.msk $0xffff, v11;
	(pc) =	sbr.rel @p3 .LBB2_3-.Ltmp2, $4  }
0x67: {  	s24 =	sshll.u32 s9, $0x7;
	s2 =	sor.u32 s3, s18;
	s0 =	sadd.s32 s3, s13;
	v11 =	vld [tilespmem:s17+$0x0];
	[tilespmem:v15+s21+$0x0] =	vst.idx.msk $0xffff, v10  }
0x68: {  	v13 =	vadd.s32 s1, v0;
	s20 =	sadd.s32 s3, s11;
	s6 =	sadd.s32 s3, s14;
	s4 =	sadd.s32 s3, s19;
	v17 =	vadd.s32 s0, v0;
	[tilespmem:v8+s21+$0x0] =	vst.idx.msk $0xffff, v14;
	v8 =	vld [tilespmem:s2+$0x0]  }
0x69: {  	s28 =	sshll.u32 s10, $0x7;
	s1 =	sadd.s32 s3, s22;
	v5 =	vadd.s32 s6, v0;
	v12 =	vadd.s32 s4, v0;
	[tilespmem:v19+s21+$0x0] =	vst.idx.msk $0xffff, v18;
	v14 =	vld [tilespmem:s15+$0x0];
	s2 =	sor.u32 s3, s24  }
0x6a: {  	v10 =	vadd.s32 s20, v0;
	[tilespmem:v20+s21+$0x0] =	vst.idx.msk $0xffff, v16;
	v16 =	vadd.s32 s1, v0;
	s1 =	sor.u32 s3, s28;
	s3 =	sadd.s32 s3, s26;
	v15 =	vld [tilespmem:s2+$0x0]  }
0x6b: {  	_ =	sdelay $0x3  }
0x6c: {  	[tilespmem:v13+s21+$0x0] =	vst.idx.msk $0xffff, v4  }
0x6d: {  	[tilespmem:v3+s21+$0x0] =	vst.idx.msk $0xffff, v7  }
0x6e: {  	[tilespmem:v12+s21+$0x0] =	vst.idx.msk $0xffff, v2  }
0x6f: {  	v4 =	vadd.s32 s3, v0;
	s15 =	simm.s32 $0x1833;
	[tilespmem:v6+s21+$0x0] =	vst.idx.msk $0xffff, v11;
	v6 =	vld [tilespmem:s1+$0x0]  }
0x70: {  	s0 =	simm.s32 $0x1023;
	[tilespmem:v5+s21+$0x0] =	vst.idx.msk $0xffff, v9;
	v3 =	vadd.s32 s15, v1  }
0x71: {  	s16 =	simm.s32 $0x810;
	v7 =	vadd.s32 s0, v1;
	[tilespmem:v10+s21+$0x0] =	vst.idx.msk $0xffff, v8  }
0x72: {  	s18 =	simm.s32 $0x1830;
	v8 =	vadd.s32 s16, v1;
	[tilespmem:v17+s21+$0x0] =	vst.idx.msk $0xffff, v14  }
0x73: {  	s17 =	simm.s32 $0x1020;
	v5 =	vadd.s32 s18, v1;
	[tilespmem:v16+s21+$0x0] =	vst.idx.msk $0xffff, v15  }
0x74: {  	s22 =	simm.s32 $0x811;
	[tilespmem:v4+s21+$0x0] =	vst.idx.msk $0xffff, v6;
	v4 =	vadd.s32 s17, v1  }
0x75: {  	s19 =	simm.s32 $0x1;
	v9 =	vadd.s32 s22, v1;
	v2 =	vld.idx.msk [tilespmem:v3+s21+$0x0], $0xffff  }
0x76: {  	s20 =	simm.s32 $0x0;
	v6 =	vadd.s32 s19, v1;
	v7 =	vld.idx.msk [tilespmem:v7+s21+$0x0], $0xffff  }
0x77: {  	s23 =	simm.s32 $0x1021;
	v3 =	vadd.s32 s20, v1;
	v8 =	vld.idx.msk [tilespmem:v8+s21+$0x0], $0xffff  }
0x78: {  	s24 =	simm.s32 $0x1831;
	v10 =	vadd.s32 s23, v1;
	v5 =	vld.idx.msk [tilespmem:v5+s21+$0x0], $0xffff  }
0x79: {  	s25 =	simm.s32 $0x2;
	v60 =	vadd.s32 s24, v1;
	v4 =	vld.idx.msk [tilespmem:v4+s21+$0x0], $0xffff  }
0x7a: {  	s26 =	simm.s32 $0x812;
	v61 =	vadd.s32 s25, v1;
	v11 =	vld.idx.msk [tilespmem:v9+s21+$0x0], $0xffff  }
0x7b: {  	s28 =	simm.s32 $0x1022;
	v62 =	vadd.s32 s26, v1;
	v14 =	vld.idx.msk [tilespmem:v6+s21+$0x0], $0xffff  }
0x7c: {  	s30 =	simm.s32 $0x1832;
	v63 =	vadd.s32 s28, v1;
	v16 =	vld.idx.msk [tilespmem:v3+s21+$0x0], $0xffff;
	[tilespmem:s29+$0x60] =	vst v7  }
0x7d: {  	s31 =	simm.s32 $0x3;
	v10 =	vld.idx.msk [tilespmem:v10+s21+$0x0], $0xffff;
	v6 =	vadd.s32 s30, v1;
	[tilespmem:s29+$0xFFFFFF90] =	vst v8  }
0x7e: {  	s2 =	simm.s32 $0x813;
	v9 =	vld.idx.msk [tilespmem:v60+s21+$0x0], $0xffff;
	[tilespmem:s29+$0xFFFFFFA0] =	vst v4;
	v4 =	vadd.s32 s31, v1  }
0x7f: {  	[tilespmem:s29+$0xFFFFFFB0] =	vst v5;
	v8 =	vld.idx.msk [tilespmem:v61+s21+$0x0], $0xffff;
	v3 =	vadd.s32 s2, v1  }
0x80: {  	v7 =	vld.idx.msk [tilespmem:v62+s21+$0x0], $0xffff;
	[tilespmem:s29+$0xFFFFFFC0] =	vst v14  }
0x81: {  	s0 =	simm.s32 $0x0;
	s1 =	simm.s32 $0x1837;
	v5 =	vld.idx.msk [tilespmem:v63+s21+$0x0], $0xffff;
	[tilespmem:s29+$0xFFFFFF80] =	vst v16  }
.LBB2_5:
0x82: {  	s2 =	sadd.s32 $0xFFFFEFDD, s1;
	s3 =	sadd.s32 $0xFFFFF7F0, s1;
	v12 =	vadd.s32 s1, v1;
	s0 =	sadd.s32 $0x10, s0;
	[tilespmem:s29+$0xFFFFFFD0] =	vst v11;
	v11 =	vld.idx.msk [tilespmem:v6+s21+$0x0], $0xffff  }
0x83: {  	s4 =	sadd.s32 $0xFFFFFFFD, s1;
	v13 =	vadd.s32 s2, v1;
	s2 =	sadd.s32 $0xFFFFF7ED, s1;
	v14 =	vadd.s32 s3, v1;
	p3 =	slt.u32 s0, $0x1F0;
	[tilespmem:s29+$0xFFFFFFE0] =	vst v10;
	v10 =	vld.idx.msk [tilespmem:v4+s21+$0x0], $0xffff  }
0x84: {  	v16 =	vadd.s32 s4, v1;
	s3 =	sadd.s32 $0xFFFFEFDE, s1;
	s4 =	sadd.s32 $0xFFFFF7EE, s1;
	v15 =	vadd.s32 s2, v1;
	s2 =	sadd.s32 $0xFFFFE7CE, s1;
	[tilespmem:s29+$0xFFFFFFF0] =	vst v9;
	v9 =	vld.idx.msk [tilespmem:v3+s21+$0x0], $0xffff  }
0x85: {  	v18 =	vadd.s32 s3, v1;
	v19 =	vadd.s32 s4, v1;
	s3 =	sadd.s32 $0xFFFFE7CF, s1;
	s4 =	sadd.s32 $0xFFFFEFDF, s1;
	v17 =	vadd.s32 s2, v1;
	s2 =	sadd.s32 $0xFFFFFFFE, s1;
	[tilespmem:s29+$0x0] =	vst v8  }
0x86: {  	v20 =	vadd.s32 s3, v1;
	v21 =	vadd.s32 s4, v1;
	s3 =	sadd.s32 $0xFFFFFFFF, s1;
	s4 =	sadd.s32 $0xFFFFE7D0, s1;
	v8 =	vadd.s32 s2, v1;
	s2 =	sadd.s32 $0xFFFFF7EF, s1;
	[tilespmem:s29+$0x10] =	vst v7  }
0x87: {  	s5 =	sadd.s32 $0xFFFFE7CD, s1;
	v6 =	vadd.s32 s3, v1;
	v4 =	vadd.s32 s4, v1;
	v22 =	vadd.s32 s2, v1;
	s2 =	sadd.s32 $0xFFFFEFE0, s1;
	v7 =	vld.idx.msk [tilespmem:v12+s21+$0x0], $0xffff  }
0x88: {  	v12 =	vadd.s32 s5, v1;
	v3 =	vadd.s32 s2, v1;
	v14 =	vld.idx.msk [tilespmem:v14+s21+$0x0], $0xffff;
	[tilespmem:s29+$0x20] =	vst v5  }
0x89: {  	v5 =	vld.idx.msk [tilespmem:v13+s21+$0x0], $0xffff;
	[tilespmem:s29+$0x30] =	vst v11  }
0x8a: {  	v13 =	vld.idx.msk [tilespmem:v15+s21+$0x0], $0xffff;
	[tilespmem:s29+$0x40] =	vst v10  }
0x8b: {  	v15 =	vld.idx.msk [tilespmem:v16+s21+$0x0], $0xffff;
	[tilespmem:s29+$0x50] =	vst v9  }
0x8c: {  	v16 =	vld.idx.msk [tilespmem:v17+s21+$0x0], $0xffff;
	[tilespmem:s29+$0x70] =	vst v2  }
0x8d: {  	s29 =	sadd.s32 $0x100, s29;
	v2 =	vmov v7;
	v12 =	vld.idx.msk [tilespmem:v12+s21+$0x0], $0xffff  }
0x8e: {  	v11 =	vld.idx.msk [tilespmem:v18+s21+$0x0], $0xffff;
	[tilespmem:s29+$0x60] =	vst v14  }
.Ltmp3:
0x8f: {  	[tilespmem:s29+$0xFFFFFF90] =	vst v5;
	v10 =	vld.idx.msk [tilespmem:v19+s21+$0x0], $0xffff;
	(pc) =	sbr.rel @p3 .LBB2_5-.Ltmp3, $4  }
0x90: {  	[tilespmem:s29+$0xFFFFFFA0] =	vst v13;
	v9 =	vld.idx.msk [tilespmem:v8+s21+$0x0], $0xffff  }
0x91: {  	[tilespmem:s29+$0xFFFFFFB0] =	vst v15;
	v8 =	vld.idx.msk [tilespmem:v20+s21+$0x0], $0xffff  }
0x92: {  	[tilespmem:s29+$0xFFFFFFC0] =	vst v16;
	v7 =	vld.idx.msk [tilespmem:v21+s21+$0x0], $0xffff  }
0x93: {  	s1 =	sadd.s32 $0x4, s1;
	[tilespmem:s29+$0xFFFFFF80] =	vst v12;
	v5 =	vld.idx.msk [tilespmem:v22+s21+$0x0], $0xffff  }
0x94: {  	_ =	sdelay $0x2  }
0x95: {  	[tilespmem:s29+$0xFFFFFFD0] =	vst v11  }
0x96: {  	v6 =	vld.idx.msk [tilespmem:v6+s21+$0x0], $0xffff;
	[tilespmem:s29+$0xFFFFFFE0] =	vst v10  }
0x97: {  	v4 =	vld.idx.msk [tilespmem:v4+s21+$0x0], $0xffff;
	[tilespmem:s29+$0xFFFFFFF0] =	vst v9  }
0x98: {  	v3 =	vld.idx.msk [tilespmem:v3+s21+$0x0], $0xffff;
	[tilespmem:s29+$0x0] =	vst v8  }
0x99: {  	s1 =	rddreg [dreg:$0x2];
	s20 =	simm.s32 $0x0;
	s28 =	simm.s32 $0x0;
	[tilespmem:s29+$0x10] =	vst v7  }
0x9a: {  	s2 =	simm.s32 $0x4000;
	s26 =	simm.s32 $0x2;
	s30 =	sand.u32 $0x30, s28;
	[tilespmem:s29+$0x20] =	vst v5  }
0x9b: {  	s4 =	sshll.u32 s30, $0x7;
	s5 =	sor.u32 $0x1, s30;
	s6 =	sor.u32 $0x2, s30;
	[tilespmem:s29+$0x30] =	vst v6  }
0x9c: {  	s7 =	sor.u32 $0x4, s30;
	s8 =	sor.u32 $0x5, s30;
	s10 =	sor.u32 $0x7, s30;
	[tilespmem:s29+$0x40] =	vst v4  }
0x9d: {  	s11 =	sor.u32 $0x8, s30;
	s14 =	sor.u32 $0xB, s30;
	s15 =	sor.u32 $0x9, s30;
	[tilespmem:s29+$0x50] =	vst v3  }
0x9e: {  	s16 =	sor.u32 $0xA, s30;
	s17 =	sor.u32 $0xC, s30;
	s0 =	rddreg [dreg:$0x12];
	[tilespmem:s29+$0x70] =	vst v2  }
0x9f: {  	s18 =	sor.u32 $0x6, s30;
	s19 =	sor.u32 $0xD, s30;
	s22 =	rddreg [dreg:$0xd]  }
0xa0: {  	s31 =	sor.u32 $0xE, s30;
	s9 =	sshll.u32 s10, $0x7;
	s23 =	rddreg [dreg:$0x10]  }
0xa1: {  	s12 =	sshll.u32 s8, $0x7;
	s10 =	smul.u32 $0x81, s10;
	s24 =	rddreg [dreg:$0x7]  }
0xa2: {  	s29 =	simm.s32 $0x0;
	s0 =	sshll.u32 s0, $0xA;
	s25 =	rddreg [dreg:$0x13]  }
0xa3: {  	s0 =	sadd.s32 s1, s0;
	s1 =	sor.u32 s22, s23;
	p3 =	sge.u32 s25, s24  }
0xa4: {  	s22 =	sshll.u32 s17, $0x7;
	s23 =	sshll.u32 s31, $0x7;
	s17 =	smul.u32 $0x81, s17  }
0xa5: {  	[hbm4b:s0+s20] =	stream.linear.scatter [tilespmem:s2], [sflag:$0x3], $0x2000, $0x38;
	[tilespmem:$0xA080] =	vst v63  }
0xa6: {  	s24 =	sshll.u32 s5, $0x7;
	s5 =	smul.u32 $0x81, s5;
	[dreg:$0x11] =	wrdreg s1  }
0xa7: {  	s0 =	sshll.u32 @!p3 s1, $0x7;
	s1 =	rddreg [dreg:$0x9];
	s2 =	simm.s32 @!p3 $0x7A1400  }
0xa8: {  	s3 =	simm.s32 @!p3 $0x0;
	s0 =	sadd.s32 @!p3 s0, s1;
	s1 =	simm.s32 @!p3 $0x400  }
0xa9: {  	[tilespmem:s3], [sflag:$0x1] =	stream.strided.gather @!p3 [hbm4b:s0+s1], $0x2000, s2, s1, $0x38;
	[tilespmem:$0xA080] =	vst v63  }
0xaa: {  	s31 =	smul.u32 $0x81, s31;
	s20 =	sshll.u32 s19, $0x7;
	_ =	swait.ge [sflag:s26], $0x2000  }
0xab: {  	s19 =	smul.u32 $0x81, s19;
	s0 =	simm.s32 @!p2 $0x4;
	[sflag:s26] =	ssyncset.done $0x0  }
0xac: {  	s1 =	sor.u32 $0xF, s30;
	s3 =	sor.u32 $0x3, s30;
	[sflag:s26] =	ssyncadd.s32 $0xFFFFE000  }
0xad: {  	s2 =	smul.u32 $0x81, s30;
	s30 =	sshll.u32 s11, $0x7;
	_ =	swait.ge @!p2 [sflag:s0], $0x2000  }
0xae: {  	s11 =	smul.u32 $0x81, s11;
	s26 =	sshll.u32 s6, $0x7;
	[sflag:s0] =	ssyncset.done @!p2 $0x0  }
0xaf: {  	s6 =	smul.u32 $0x81, s6;
	[sflag:s0] =	ssyncadd.s32 @!p2 $0xFFFFE000;
	s0 =	sand.u32 $0x70, s29  }
0xb0: {  	s4 =	sor.u32 s0, s4;
	s13 =	sor.u32 s0, s9;
	s12 =	sor.u32 s0, s12  }
0xb1: {  	s9 =	smul.u32 $0x81, s8;
	s20 =	sor.u32 s0, s20;
	s10 =	sadd.s32 s0, s10;
	v2 =	vld [tilespmem:s12+$0x2000]  }
0xb2: {  	s23 =	sor.u32 s0, s23;
	s2 =	sadd.s32 s0, s2;
	s17 =	sadd.s32 s0, s17;
	v3 =	vld [tilespmem:s13+$0x2000]  }
0xb3: {  	s25 =	sadd.s32 s0, s19;
	s8 =	sshll.u32 s15, $0x7;
	s5 =	sadd.s32 s0, s5;
	v5 =	vld [tilespmem:s4+$0x2000]  }
0xb4: {  	s30 =	sor.u32 s0, s30;
	s11 =	sadd.s32 s0, s11;
	s19 =	smul.u32 $0x81, s16;
	v6 =	vadd.s32 s10, v0;
	v8 =	vld [tilespmem:s23+$0x2000]  }
0xb5: {  	s12 =	sor.u32 s0, s22;
	s22 =	smul.u32 $0x81, s14;
	s14 =	sshll.u32 s14, $0x7;
	v9 =	vor.u32 s2, v0;
	v10 =	vld [tilespmem:s20+$0x2000]  }
0xb6: {  	s20 =	sor.u32 s0, s26;
	v11 =	vadd.s32 s25, v0;
	s23 =	sadd.s32 s0, s31;
	s26 =	smul.u32 $0x81, s15;
	v18 =	vld [tilespmem:s30+$0x2000]  }
0xb7: {  	s10 =	sshll.u32 s18, $0x7;
	s31 =	smul.u32 $0x81, s18;
	s8 =	sor.u32 s0, s8;
	v14 =	vld [tilespmem:s20+$0x2000];
	v13 =	vadd.s32 s23, v0  }
0xb8: {  	s25 =	sadd.s32 s0, s6;
	s18 =	sshll.u32 s16, $0x7;
	v19 =	vadd.s32 s11, v0;
	s30 =	smul.u32 $0x81, s1;
	v16 =	vld [tilespmem:s8+$0x2000]  }
0xb9: {  	s1 =	sshll.u32 s1, $0x7;
	s13 =	sor.u32 s0, s14;
	v15 =	vadd.s32 s25, v0;
	v7 =	vld [tilespmem:s12+$0x2000];
	s6 =	sadd.s32 s0, s26;
	[tilespmem:v6+s21+$0x0] =	vst.idx.msk $0xffff, v3  }
0xba: {  	s14 =	smul.u32 $0x81, s7;
	s20 =	sor.u32 s0, s24;
	s24 =	sshll.u32 s7, $0x7;
	v4 =	vld [tilespmem:s13+$0x2000];
	v17 =	vadd.s32 s6, v0;
	[tilespmem:v9+s21+$0x0] =	vst.idx.msk $0xffff, v5  }
0xbb: {  	s15 =	sor.u32 s0, s10;
	v12 =	vld [tilespmem:s20+$0x2000];
	s22 =	sadd.s32 s0, s22;
	s26 =	sor.u32 s0, s24;
	[tilespmem:v11+s21+$0x0] =	vst.idx.msk $0xffff, v10  }
0xbc: {  	s23 =	smul.u32 $0x81, s3;
	s4 =	sadd.s32 s0, s14;
	s6 =	sor.u32 s0, s18;
	v3 =	vadd.s32 s17, v0;
	v9 =	vld [tilespmem:s26+$0x2000];
	[tilespmem:v13+s21+$0x0] =	vst.idx.msk $0xffff, v8;
	v13 =	vadd.s32 s22, v0  }
0xbd: {  	s9 =	sadd.s32 s0, s9;
	s8 =	sadd.s32 s0, s19;
	s3 =	sshll.u32 s3, $0x7;
	v6 =	vadd.s32 s5, v0;
	v5 =	vadd.s32 s4, v0;
	[tilespmem:v19+s21+$0x0] =	vst.idx.msk $0xffff, v18;
	v8 =	vld [tilespmem:s6+$0x2000]  }
0xbe: {  	s25 =	sadd.s32 s0, s31;
	s3 =	sor.u32 s0, s3;
	s31 =	sadd.s32 s0, s23;
	v11 =	vadd.s32 s9, v0;
	v10 =	vadd.s32 s8, v0;
	[tilespmem:v15+s21+$0x0] =	vst.idx.msk $0xffff, v14;
	v14 =	vld [tilespmem:s15+$0x2000]  }
0xbf: {  	s1 =	sor.u32 s0, s1;
	s0 =	sadd.s32 s0, s30;
	s26 =	simm.s32 $0x60F0;
	v15 =	vld [tilespmem:s3+$0x2000];
	[tilespmem:v17+s21+$0x0] =	vst.idx.msk $0xffff, v16;
	v17 =	vadd.s32 s25, v0;
	v16 =	vadd.s32 s31, v0  }
.LBB2_7:
0xc0: {  	s28 =	sadd.s32 $0x10, s28;
	s29 =	sadd.s32 $0x4, s29  }
0xc1: {  	[tilespmem:v13+s21+$0x0] =	vst.idx.msk $0xffff, v4;
	v4 =	vadd.s32 s0, v0;
	s4 =	sand.u32 $0x30, s28;
	s0 =	sand.u32 $0x70, s29  }
0xc2: {  	p2 =	slt.u32 s28, $0x1F0;
	s2 =	sshll.u32 s4, $0x7;
	s14 =	sor.u32 $0x1, s4  }
0xc3: {  	s11 =	sor.u32 $0x2, s4;
	s7 =	sor.u32 $0x4, s4;
	s5 =	sor.u32 $0x5, s4  }
0xc4: {  	s9 =	sor.u32 $0xF, s4;
	s3 =	sor.u32 $0x3, s4;
	s6 =	sor.u32 $0x7, s4  }
0xc5: {  	s15 =	sor.u32 $0x8, s4;
	s17 =	sor.u32 $0xB, s4;
	s18 =	sor.u32 $0x9, s4  }
0xc6: {  	s10 =	sor.u32 $0xA, s4;
	s19 =	sor.u32 $0xC, s4;
	s13 =	sor.u32 $0x6, s4  }
0xc7: {  	s23 =	sor.u32 $0xD, s4;
	s24 =	sor.u32 $0xE, s4;
	s4 =	smul.u32 $0x81, s4  }
0xc8: {  	s8 =	sor.u32 s0, s2;
	s12 =	sshll.u32 s5, $0x7;
	s5 =	smul.u32 $0x81, s5  }
0xc9: {  	s22 =	sshll.u32 s15, $0x7;
	s30 =	sshll.u32 s23, $0x7;
	s2 =	smul.u32 $0x81, s17  }
0xca: {  	s20 =	sshll.u32 s14, $0x7;
	s25 =	sshll.u32 s11, $0x7;
	s11 =	smul.u32 $0x81, s11  }
0xcb: {  	s31 =	sshll.u32 s19, $0x7;
	[tilespmem:v6+s21+$0x0] =	vst.idx.msk $0xffff, v12;
	v6 =	vld [tilespmem:s1+$0x2000];
	s1 =	sshll.u32 s6, $0x7;
	s6 =	smul.u32 $0x81, s6  }
0xcc: {  	[tilespmem:v11+s21+$0x0] =	vst.idx.msk $0xffff, v2;
	s12 =	sor.u32 s0, s12;
	s30 =	sor.u32 s0, s30;
	s4 =	sadd.s32 s0, s4  }
0xcd: {  	[tilespmem:v10+s21+$0x0] =	vst.idx.msk $0xffff, v8;
	v8 =	vld [tilespmem:s8+$0x2000];
	s8 =	sor.u32 s0, s31;
	s31 =	sshll.u32 s17, $0x7;
	s16 =	sor.u32 s0, s1  }
0xce: {  	[dreg:$0x5] =	wrdreg s5;
	s5 =	sshll.u32 s18, $0x7;
	v2 =	vld [tilespmem:s12+$0x2000];
	s12 =	smul.u32 $0x81, s19  }
0xcf: {  	s1 =	sshll.u32 s24, $0x7;
	s17 =	sor.u32 s0, s31;
	s31 =	smul.u32 $0x81, s18  }
0xd0: {  	[tilespmem:v5+s21+$0x0] =	vst.idx.msk $0xffff, v9;
	s19 =	sshll.u32 s13, $0x7;
	v9 =	vor.u32 s4, v0;
	v11 =	vld [tilespmem:s30+$0x2000];
	s30 =	sor.u32 s0, s22;
	s13 =	smul.u32 $0x81, s13  }
0xd1: {  	s18 =	sor.u32 s0, s20;
	s2 =	sadd.s32 s0, s2;
	v5 =	vld [tilespmem:s16+$0x2000];
	s16 =	smul.u32 $0x81, s23  }
0xd2: {  	[tilespmem:v17+s21+$0x0] =	vst.idx.msk $0xffff, v14;
	s6 =	sadd.s32 s0, s6;
	s1 =	sor.u32 s0, s1;
	s23 =	smul.u32 $0x81, s14  }
0xd3: {  	[tilespmem:v3+s21+$0x0] =	vst.idx.msk $0xffff, v7;
	s5 =	sor.u32 s0, s5;
	v7 =	vadd.s32 s6, v0;
	v10 =	vld [tilespmem:s1+$0x2000];
	s6 =	sadd.s32 s0, s16;
	s16 =	smul.u32 $0x81, s24  }
0xd4: {  	s4 =	sadd.s32 s0, s23;
	s23 =	sor.u32 s0, s25;
	s25 =	sadd.s32 s0, s11;
	[tilespmem:v4+s21+$0x0] =	vst.idx.msk $0xffff, v6;
	v12 =	vadd.s32 s6, v0;
	v4 =	vld [tilespmem:s17+$0x2000]  }
0xd5: {  	s20 =	rddreg [dreg:$0x5];
	s24 =	smul.u32 $0x81, s15;
	v14 =	vld [tilespmem:s23+$0x2000];
	s17 =	sadd.s32 s0, s31;
	[tilespmem:v9+s21+$0x0] =	vst.idx.msk $0xffff, v8;
	v8 =	vadd.s32 s25, v0  }
0xd6: {  	[tilespmem:v16+s21+$0x0] =	vst.idx.msk $0xffff, v15;
	v16 =	vld [tilespmem:s5+$0x2000];
	s15 =	smul.u32 $0x81, s7;
	s7 =	sshll.u32 s7, $0x7;
	s1 =	sadd.s32 s0, s16;
	v20 =	vadd.s32 s17, v0  }
0xd7: {  	v18 =	vld [tilespmem:s30+$0x2000];
	s12 =	sadd.s32 s0, s12;
	s14 =	sadd.s32 s0, s24;
	s24 =	sor.u32 s0, s7;
	v15 =	vadd.s32 s1, v0  }
0xd8: {  	s5 =	sadd.s32 s0, s20;
	s23 =	smul.u32 $0x81, s3;
	s3 =	sshll.u32 s3, $0x7;
	v19 =	vadd.s32 s14, v0;
	v9 =	vld [tilespmem:s24+$0x2000];
	[tilespmem:v7+s21+$0x0] =	vst.idx.msk $0xffff, v5  }
.Ltmp4:
0xd9: {  	s16 =	sor.u32 s0, s19;
	s19 =	sshll.u32 s10, $0x7;
	v7 =	vld [tilespmem:s8+$0x2000];
	[tilespmem:v12+s21+$0x0] =	vst.idx.msk $0xffff, v11;
	(pc) =	sbr.rel @p2 .LBB2_7-.Ltmp4, $4  }
0xda: {  	v13 =	vadd.s32 s2, v0;
	v6 =	vadd.s32 s4, v0;
	s10 =	smul.u32 $0x81, s10;
	s6 =	sadd.s32 s0, s15;
	s4 =	sor.u32 s0, s19;
	v12 =	vld [tilespmem:s18+$0x2000];
	[tilespmem:v8+s21+$0x0] =	vst.idx.msk $0xffff, v14  }
0xdb: {  	v3 =	vadd.s32 s12, v0;
	s31 =	sshll.u32 s9, $0x7;
	s25 =	smul.u32 $0x81, s9;
	s1 =	sadd.s32 s0, s13;
	v5 =	vadd.s32 s6, v0;
	v8 =	vld [tilespmem:s4+$0x2000];
	[tilespmem:v20+s21+$0x0] =	vst.idx.msk $0xffff, v16  }
0xdc: {  	s30 =	sor.u32 s0, s3;
	s2 =	sadd.s32 s0, s23;
	s22 =	sadd.s32 s0, s10;
	v17 =	vadd.s32 s1, v0;
	v11 =	vadd.s32 s5, v0;
	v14 =	vld [tilespmem:s16+$0x2000];
	[tilespmem:v15+s21+$0x0] =	vst.idx.msk $0xffff, v10  }
0xdd: {  	s1 =	sor.u32 s0, s31;
	s0 =	sadd.s32 s0, s25;
	v16 =	vadd.s32 s2, v0;
	v10 =	vadd.s32 s22, v0;
	v15 =	vld [tilespmem:s30+$0x2000];
	[tilespmem:v19+s21+$0x0] =	vst.idx.msk $0xffff, v18  }
0xde: {  	_ =	sdelay $0x3  }
0xdf: {  	[tilespmem:v13+s21+$0x0] =	vst.idx.msk $0xffff, v4  }
0xe0: {  	[tilespmem:v3+s21+$0x0] =	vst.idx.msk $0xffff, v7  }
0xe1: {  	[tilespmem:v11+s21+$0x0] =	vst.idx.msk $0xffff, v2  }
0xe2: {  	v4 =	vadd.s32 s0, v0;
	s14 =	simm.s32 $0x1833;
	[tilespmem:v6+s21+$0x0] =	vst.idx.msk $0xffff, v12;
	v6 =	vld [tilespmem:s1+$0x2000]  }
0xe3: {  	s15 =	simm.s32 $0x1023;
	[tilespmem:v5+s21+$0x0] =	vst.idx.msk $0xffff, v9;
	v3 =	vadd.s32 s14, v1  }
0xe4: {  	s16 =	simm.s32 $0x810;
	v7 =	vadd.s32 s15, v1;
	[tilespmem:v10+s21+$0x0] =	vst.idx.msk $0xffff, v8  }
0xe5: {  	s18 =	simm.s32 $0x1830;
	v8 =	vadd.s32 s16, v1;
	[tilespmem:v17+s21+$0x0] =	vst.idx.msk $0xffff, v14  }
0xe6: {  	s17 =	simm.s32 $0x1020;
	v5 =	vadd.s32 s18, v1;
	[tilespmem:v16+s21+$0x0] =	vst.idx.msk $0xffff, v15  }
0xe7: {  	s22 =	simm.s32 $0x811;
	[tilespmem:v4+s21+$0x0] =	vst.idx.msk $0xffff, v6;
	v4 =	vadd.s32 s17, v1  }
0xe8: {  	s19 =	simm.s32 $0x1;
	v9 =	vadd.s32 s22, v1;
	v2 =	vld.idx.msk [tilespmem:v3+s21+$0x0], $0xffff  }
0xe9: {  	s20 =	simm.s32 $0x0;
	v6 =	vadd.s32 s19, v1;
	v7 =	vld.idx.msk [tilespmem:v7+s21+$0x0], $0xffff  }
0xea: {  	s23 =	simm.s32 $0x1021;
	v3 =	vadd.s32 s20, v1;
	v8 =	vld.idx.msk [tilespmem:v8+s21+$0x0], $0xffff  }
0xeb: {  	s24 =	simm.s32 $0x1831;
	v10 =	vadd.s32 s23, v1;
	v5 =	vld.idx.msk [tilespmem:v5+s21+$0x0], $0xffff  }
0xec: {  	s25 =	simm.s32 $0x2;
	v60 =	vadd.s32 s24, v1;
	v4 =	vld.idx.msk [tilespmem:v4+s21+$0x0], $0xffff  }
0xed: {  	s28 =	simm.s32 $0x812;
	v61 =	vadd.s32 s25, v1;
	v11 =	vld.idx.msk [tilespmem:v9+s21+$0x0], $0xffff  }
0xee: {  	s29 =	simm.s32 $0x1022;
	v62 =	vadd.s32 s28, v1;
	v14 =	vld.idx.msk [tilespmem:v6+s21+$0x0], $0xffff  }
0xef: {  	s30 =	simm.s32 $0x1832;
	v63 =	vadd.s32 s29, v1;
	v16 =	vld.idx.msk [tilespmem:v3+s21+$0x0], $0xffff;
	[tilespmem:s26+$0xFFFFFFF0] =	vst v7  }
0xf0: {  	s31 =	simm.s32 $0x3;
	v10 =	vld.idx.msk [tilespmem:v10+s21+$0x0], $0xffff;
	v6 =	vadd.s32 s30, v1;
	[tilespmem:s26+$0xFFFFFF20] =	vst v8  }
0xf1: {  	s2 =	simm.s32 $0x813;
	v9 =	vld.idx.msk [tilespmem:v60+s21+$0x0], $0xffff;
	[tilespmem:s26+$0xFFFFFF30] =	vst v4;
	v4 =	vadd.s32 s31, v1  }
0xf2: {  	[tilespmem:s26+$0xFFFFFF40] =	vst v5;
	v8 =	vld.idx.msk [tilespmem:v61+s21+$0x0], $0xffff;
	v3 =	vadd.s32 s2, v1  }
0xf3: {  	v7 =	vld.idx.msk [tilespmem:v62+s21+$0x0], $0xffff;
	[tilespmem:s26+$0xFFFFFF50] =	vst v14  }
0xf4: {  	s0 =	simm.s32 $0x0;
	s1 =	simm.s32 $0x1837;
	v5 =	vld.idx.msk [tilespmem:v63+s21+$0x0], $0xffff;
	[tilespmem:s26+$0xFFFFFF10] =	vst v16  }
.LBB2_9:
0xf5: {  	s2 =	sadd.s32 $0xFFFFEFDD, s1;
	s3 =	sadd.s32 $0xFFFFF7F0, s1;
	v12 =	vadd.s32 s1, v1;
	s0 =	sadd.s32 $0x10, s0;
	[tilespmem:s26+$0xFFFFFF60] =	vst v11;
	v11 =	vld.idx.msk [tilespmem:v6+s21+$0x0], $0xffff  }
0xf6: {  	s4 =	sadd.s32 $0xFFFFFFFD, s1;
	v13 =	vadd.s32 s2, v1;
	s2 =	sadd.s32 $0xFFFFF7ED, s1;
	v14 =	vadd.s32 s3, v1;
	p2 =	slt.u32 s0, $0x1F0;
	[tilespmem:s26+$0xFFFFFF70] =	vst v10;
	v10 =	vld.idx.msk [tilespmem:v4+s21+$0x0], $0xffff  }
0xf7: {  	v16 =	vadd.s32 s4, v1;
	s3 =	sadd.s32 $0xFFFFEFDE, s1;
	s4 =	sadd.s32 $0xFFFFF7EE, s1;
	v15 =	vadd.s32 s2, v1;
	s2 =	sadd.s32 $0xFFFFE7CE, s1;
	[tilespmem:s26+$0xFFFFFF80] =	vst v9;
	v9 =	vld.idx.msk [tilespmem:v3+s21+$0x0], $0xffff  }
0xf8: {  	v18 =	vadd.s32 s3, v1;
	v19 =	vadd.s32 s4, v1;
	s3 =	sadd.s32 $0xFFFFE7CF, s1;
	s4 =	sadd.s32 $0xFFFFEFDF, s1;
	v17 =	vadd.s32 s2, v1;
	s2 =	sadd.s32 $0xFFFFFFFE, s1;
	[tilespmem:s26+$0xFFFFFF90] =	vst v8  }
0xf9: {  	v20 =	vadd.s32 s3, v1;
	v21 =	vadd.s32 s4, v1;
	s3 =	sadd.s32 $0xFFFFFFFF, s1;
	s4 =	sadd.s32 $0xFFFFE7D0, s1;
	v8 =	vadd.s32 s2, v1;
	s2 =	sadd.s32 $0xFFFFF7EF, s1;
	[tilespmem:s26+$0xFFFFFFA0] =	vst v7  }
0xfa: {  	s5 =	sadd.s32 $0xFFFFE7CD, s1;
	v6 =	vadd.s32 s3, v1;
	v4 =	vadd.s32 s4, v1;
	v22 =	vadd.s32 s2, v1;
	s2 =	sadd.s32 $0xFFFFEFE0, s1;
	v7 =	vld.idx.msk [tilespmem:v12+s21+$0x0], $0xffff  }
0xfb: {  	v12 =	vadd.s32 s5, v1;
	v3 =	vadd.s32 s2, v1;
	v14 =	vld.idx.msk [tilespmem:v14+s21+$0x0], $0xffff;
	[tilespmem:s26+$0xFFFFFFB0] =	vst v5  }
0xfc: {  	v5 =	vld.idx.msk [tilespmem:v13+s21+$0x0], $0xffff;
	[tilespmem:s26+$0xFFFFFFC0] =	vst v11  }
0xfd: {  	v13 =	vld.idx.msk [tilespmem:v15+s21+$0x0], $0xffff;
	[tilespmem:s26+$0xFFFFFFD0] =	vst v10  }
0xfe: {  	v15 =	vld.idx.msk [tilespmem:v16+s21+$0x0], $0xffff;
	[tilespmem:s26+$0xFFFFFFE0] =	vst v9  }
0xff: {  	v16 =	vld.idx.msk [tilespmem:v17+s21+$0x0], $0xffff;
	[tilespmem:s26+$0x0] =	vst v2  }
0x100: {  	s26 =	sadd.s32 $0x100, s26;
	v2 =	vmov v7;
	v12 =	vld.idx.msk [tilespmem:v12+s21+$0x0], $0xffff  }
0x101: {  	v11 =	vld.idx.msk [tilespmem:v18+s21+$0x0], $0xffff;
	[tilespmem:s26+$0xFFFFFFF0] =	vst v14  }
.Ltmp5:
0x102: {  	[tilespmem:s26+$0xFFFFFF20] =	vst v5;
	v10 =	vld.idx.msk [tilespmem:v19+s21+$0x0], $0xffff;
	(pc) =	sbr.rel @p2 .LBB2_9-.Ltmp5, $4  }
0x103: {  	[tilespmem:s26+$0xFFFFFF30] =	vst v13;
	v9 =	vld.idx.msk [tilespmem:v8+s21+$0x0], $0xffff  }
0x104: {  	[tilespmem:s26+$0xFFFFFF40] =	vst v15;
	v8 =	vld.idx.msk [tilespmem:v20+s21+$0x0], $0xffff  }
0x105: {  	[tilespmem:s26+$0xFFFFFF50] =	vst v16;
	v7 =	vld.idx.msk [tilespmem:v21+s21+$0x0], $0xffff  }
0x106: {  	s1 =	sadd.s32 $0x4, s1;
	[tilespmem:s26+$0xFFFFFF10] =	vst v12;
	v5 =	vld.idx.msk [tilespmem:v22+s21+$0x0], $0xffff  }
0x107: {  	_ =	sdelay $0x2  }
0x108: {  	[tilespmem:s26+$0xFFFFFF60] =	vst v11  }
0x109: {  	v6 =	vld.idx.msk [tilespmem:v6+s21+$0x0], $0xffff;
	[tilespmem:s26+$0xFFFFFF70] =	vst v10  }
0x10a: {  	v4 =	vld.idx.msk [tilespmem:v4+s21+$0x0], $0xffff;
	[tilespmem:s26+$0xFFFFFF80] =	vst v9  }
0x10b: {  	v3 =	vld.idx.msk [tilespmem:v3+s21+$0x0], $0xffff;
	[tilespmem:s26+$0xFFFFFF90] =	vst v8  }
0x10c: {  	[tilespmem:s26+$0xFFFFFFA0] =	vst v7  }
0x10d: {  	[tilespmem:s26+$0xFFFFFFB0] =	vst v5  }
0x10e: {  	[tilespmem:s26+$0xFFFFFFC0] =	vst v6  }
0x10f: {  	[tilespmem:s26+$0xFFFFFFD0] =	vst v4  }
0x110: {  	s0 =	rddreg [dreg:$0x11];
	[tilespmem:s26+$0xFFFFFFE0] =	vst v3  }
0x111: {  	[tilespmem:s26+$0x0] =	vst v2  }
0x112: {  	s24 =	rddreg [dreg:$0xf]  }
0x113: {  	s24 =	sadd.s32 $0x1, s24  }
0x114: {  	p2 =	sne.s32 s24, $0x7A  }
.Ltmp6:
0x115: {  	_ = 	snop;
	(pc) =	sbr.rel @p2 .LBB2_2-.Ltmp6, $4  }
0x116: {  	s0 =	sshll.u32 s0, $0xA  }
0x117: {  	s1 =	rddreg [dreg:$0x2];
	s0 =	sand.u32 $0x1FFFFC00, s0  }
0x118: {  	s31 =	simm.s32 $0x0;
	s2 =	simm.s32 $0x6000;
	s0 =	sadd.s32 s1, s0  }
0x119: {  	[hbm4b:s0+s31] =	stream.linear.scatter [tilespmem:s2], [sflag:$0x4], $0x2000, $0x38;
	[tilespmem:$0xA080] =	vst v63  }
.Ltmp7:
0x11a: {  	(pc) =	sbr.rel @p0 .LBB2_17-.Ltmp7, $2  }
0x11b: {  	_ =	sdelay $0x2  }
0x11c: {  	s4 =	rddreg [dreg:$0xe]  }
0x11d: {  	s0 =	simm.s32 $0x1;
	s24 =	simm.s32 $0x0  }
0x11e: {  	s28 =	simm.s32 $0x3;
	s25 =	simm.s32 $0x0;
	s2 =	sand.u32 $0x30, s24  }
0x11f: {  	_ =	swait.ge [sflag:s0], $0x2000;
	s4 =	sshll.u32 s2, $0x7;
	s5 =	sor.u32 $0x1, s2  }
0x120: {  	s6 =	sor.u32 $0x2, s2;
	s7 =	sor.u32 $0x4, s2;
	s8 =	sor.u32 $0x5, s2  }
0x121: {  	s1 =	sor.u32 $0xF, s2;
	s3 =	sor.u32 $0x3, s2;
	s10 =	sor.u32 $0x7, s2  }
0x122: {  	s11 =	sor.u32 $0x8, s2;
	s14 =	sor.u32 $0xB, s2;
	s15 =	sor.u32 $0x9, s2  }
0x123: {  	s16 =	sor.u32 $0xA, s2;
	s17 =	sor.u32 $0xC, s2;
	s18 =	sor.u32 $0x6, s2  }
0x124: {  	s19 =	sor.u32 $0xD, s2;
	s29 =	sor.u32 $0xE, s2;
	s2 =	smul.u32 $0x81, s2  }
0x125: {  	[sflag:s0] =	ssyncset.done $0x0;
	s9 =	sshll.u32 s10, $0x7;
	s10 =	smul.u32 $0x81, s10  }
0x126: {  	[sflag:s0] =	ssyncadd.s32 $0xFFFFE000;
	s23 =	sshll.u32 s17, $0x7;
	s17 =	smul.u32 $0x81, s17  }
0x127: {  	s0 =	sand.u32 $0x70, s25;
	s20 =	sshll.u32 s19, $0x7;
	s19 =	smul.u32 $0x81, s19  }
0x128: {  	s12 =	sshll.u32 s8, $0x7;
	s22 =	sshll.u32 s5, $0x7;
	s5 =	smul.u32 $0x81, s5  }
0x129: {  	s26 =	sshll.u32 s29, $0x7;
	s30 =	sshll.u32 s6, $0x7;
	s6 =	smul.u32 $0x81, s6  }
0x12a: {  	_ =	swait.ge [sflag:s28], $0x2000;
	s4 =	sor.u32 s0, s4;
	s13 =	sor.u32 s0, s9  }
0x12b: {  	s9 =	smul.u32 $0x81, s8;
	s12 =	sor.u32 s0, s12;
	[sflag:s28] =	ssyncset.done $0x0  }
0x12c: {  	s20 =	sor.u32 s0, s20;
	s26 =	sor.u32 s0, s26;
	[sflag:s28] =	ssyncadd.s32 $0xFFFFE000  }
0x12d: {  	s31 =	sadd.s32 s0, s19;
	s28 =	sshll.u32 s11, $0x7;
	s11 =	smul.u32 $0x81, s11;
	v2 =	vld [tilespmem:s12+$0x0]  }
0x12e: {  	s2 =	sadd.s32 s0, s2;
	s10 =	sadd.s32 s0, s10;
	v11 =	vadd.s32 s31, v0;
	s31 =	smul.u32 $0x81, s18;
	v3 =	vld [tilespmem:s13+$0x0]  }
0x12f: {  	s8 =	sor.u32 s0, s30;
	s5 =	sadd.s32 s0, s5;
	v6 =	vadd.s32 s10, v0;
	v5 =	vld [tilespmem:s4+$0x0];
	s4 =	smul.u32 $0x81, s29  }
0x130: {  	v9 =	vor.u32 s2, v0;
	s12 =	sor.u32 s0, s23;
	s23 =	smul.u32 $0x81, s14;
	s13 =	sadd.s32 s0, s17;
	v8 =	vld [tilespmem:s26+$0x0]  }
0x131: {  	s14 =	sshll.u32 s14, $0x7;
	v10 =	vld [tilespmem:s20+$0x0];
	s26 =	smul.u32 $0x81, s15;
	s19 =	sadd.s32 s0, s4  }
0x132: {  	s17 =	sshll.u32 s15, $0x7;
	s20 =	sadd.s32 s0, s6;
	v14 =	vld [tilespmem:s8+$0x0];
	s14 =	sor.u32 s0, s14;
	v13 =	vadd.s32 s19, v0  }
0x133: {  	s9 =	sadd.s32 s0, s9;
	v15 =	vadd.s32 s20, v0;
	v4 =	vld [tilespmem:s14+$0x0];
	s14 =	sor.u32 s0, s17;
	s6 =	sadd.s32 s0, s26  }
0x134: {  	s29 =	sshll.u32 s18, $0x7;
	s30 =	sor.u32 s0, s28;
	s15 =	smul.u32 $0x81, s7;
	v16 =	vld [tilespmem:s14+$0x0];
	v17 =	vadd.s32 s6, v0;
	[tilespmem:v6+s21+$0x0] =	vst.idx.msk $0xffff, v3  }
0x135: {  	s18 =	sshll.u32 s16, $0x7;
	s11 =	sadd.s32 s0, s11;
	v18 =	vld [tilespmem:s30+$0x0];
	s20 =	sor.u32 s0, s22;
	[tilespmem:v9+s21+$0x0] =	vst.idx.msk $0xffff, v5  }
0x136: {  	v7 =	vld [tilespmem:s12+$0x0];
	s30 =	smul.u32 $0x81, s1;
	v19 =	vadd.s32 s11, v0;
	s22 =	sadd.s32 s0, s23;
	s26 =	sshll.u32 s7, $0x7;
	[tilespmem:v11+s21+$0x0] =	vst.idx.msk $0xffff, v10  }
0x137: {  	s17 =	sor.u32 s0, s29;
	v12 =	vld [tilespmem:s20+$0x0];
	s23 =	smul.u32 $0x81, s3;
	s29 =	sor.u32 s0, s26;
	[tilespmem:v13+s21+$0x0] =	vst.idx.msk $0xffff, v8;
	v13 =	vadd.s32 s22, v0  }
0x138: {  	s28 =	sadd.s32 s0, s31;
	s3 =	sshll.u32 s3, $0x7;
	s19 =	smul.u32 $0x81, s16;
	v6 =	vadd.s32 s5, v0;
	v9 =	vld [tilespmem:s29+$0x0];
	[tilespmem:v15+s21+$0x0] =	vst.idx.msk $0xffff, v14  }
0x139: {  	s1 =	sshll.u32 s1, $0x7;
	s4 =	sadd.s32 s0, s15;
	s3 =	sor.u32 s0, s3;
	v14 =	vld [tilespmem:s17+$0x0];
	[tilespmem:v17+s21+$0x0] =	vst.idx.msk $0xffff, v16;
	v17 =	vadd.s32 s28, v0  }
0x13a: {  	s6 =	sor.u32 s0, s18;
	s31 =	sadd.s32 s0, s23;
	s11 =	sadd.s32 s0, s19;
	v3 =	vadd.s32 s13, v0;
	v5 =	vadd.s32 s4, v0;
	v11 =	vadd.s32 s9, v0;
	v15 =	vld [tilespmem:s3+$0x0]  }
0x13b: {  	s1 =	sor.u32 s0, s1;
	s0 =	sadd.s32 s0, s30;
	v10 =	vadd.s32 s11, v0;
	[tilespmem:v19+s21+$0x0] =	vst.idx.msk $0xffff, v18;
	v8 =	vld [tilespmem:s6+$0x0];
	v16 =	vadd.s32 s31, v0  }
.LBB2_13:
0x13c: {  	s24 =	sadd.s32 $0x10, s24;
	[tilespmem:v13+s21+$0x0] =	vst.idx.msk $0xffff, v4;
	v4 =	vadd.s32 s0, v0;
	s25 =	sadd.s32 $0x4, s25  }
0x13d: {  	s4 =	sand.u32 $0x30, s24;
	s0 =	sand.u32 $0x70, s25;
	p2 =	slt.u32 s24, $0x1F0;
	[tilespmem:v6+s21+$0x0] =	vst.idx.msk $0xffff, v12  }
0x13e: {  	s2 =	sshll.u32 s4, $0x7;
	s14 =	sor.u32 $0x1, s4;
	s11 =	sor.u32 $0x2, s4;
	[tilespmem:v17+s21+$0x0] =	vst.idx.msk $0xffff, v14;
	v6 =	vld [tilespmem:s1+$0x0]  }
0x13f: {  	s7 =	sor.u32 $0x4, s4;
	s5 =	sor.u32 $0x5, s4;
	s1 =	sor.u32 $0xF, s4;
	[tilespmem:v3+s21+$0x0] =	vst.idx.msk $0xffff, v7  }
0x140: {  	s3 =	sor.u32 $0x3, s4;
	s6 =	sor.u32 $0x7, s4;
	s15 =	sor.u32 $0x8, s4;
	[tilespmem:v16+s21+$0x0] =	vst.idx.msk $0xffff, v15  }
0x141: {  	s8 =	sor.u32 s0, s2;
	s2 =	sshll.u32 s6, $0x7;
	s22 =	sshll.u32 s15, $0x7;
	[tilespmem:v11+s21+$0x0] =	vst.idx.msk $0xffff, v2  }
0x142: {  	s17 =	sor.u32 $0xB, s4;
	s12 =	sshll.u32 s5, $0x7;
	s16 =	sor.u32 s0, s2;
	[tilespmem:v10+s21+$0x0] =	vst.idx.msk $0xffff, v8  }
0x143: {  	s18 =	sor.u32 $0x9, s4;
	s10 =	sor.u32 $0xA, s4;
	s19 =	sor.u32 $0xC, s4;
	[tilespmem:v4+s21+$0x0] =	vst.idx.msk $0xffff, v6  }
0x144: {  	s13 =	sor.u32 $0x6, s4;
	s23 =	sor.u32 $0xD, s4;
	s26 =	sor.u32 $0xE, s4;
	[tilespmem:v5+s21+$0x0] =	vst.idx.msk $0xffff, v9  }
0x145: {  	s9 =	smul.u32 $0x81, s5;
	s5 =	sshll.u32 s18, $0x7;
	s28 =	sshll.u32 s23, $0x7  }
0x146: {  	s20 =	sshll.u32 s14, $0x7;
	s29 =	sshll.u32 s19, $0x7;
	s2 =	smul.u32 $0x81, s17  }
0x147: {  	s30 =	sshll.u32 s11, $0x7;
	s6 =	smul.u32 $0x81, s6;
	s31 =	sshll.u32 s26, $0x7  }
0x148: {  	s4 =	smul.u32 $0x81, s4;
	s12 =	sor.u32 s0, s12;
	s28 =	sor.u32 s0, s28  }
0x149: {  	s6 =	sadd.s32 s0, s6;
	v2 =	vld [tilespmem:s12+$0x0];
	s12 =	smul.u32 $0x81, s19;
	s19 =	sor.u32 s0, s31  }
0x14a: {  	s4 =	sadd.s32 s0, s4;
	v7 =	vadd.s32 s6, v0;
	s6 =	smul.u32 $0x81, s23;
	s31 =	sshll.u32 s13, $0x7;
	v5 =	vld [tilespmem:s16+$0x0]  }
0x14b: {  	v9 =	vor.u32 s4, v0;
	s4 =	smul.u32 $0x81, s14;
	v8 =	vld [tilespmem:s8+$0x0];
	s8 =	sor.u32 s0, s29;
	s12 =	sadd.s32 s0, s12  }
0x14c: {  	s14 =	sshll.u32 s17, $0x7;
	s6 =	sadd.s32 s0, s6;
	v3 =	vadd.s32 s12, v0;
	v10 =	vld [tilespmem:s19+$0x0];
	s12 =	smul.u32 $0x81, s26  }
0x14d: {  	s11 =	smul.u32 $0x81, s11;
	s14 =	sor.u32 s0, s14;
	v12 =	vadd.s32 s6, v0;
	s4 =	sadd.s32 s0, s4;
	v11 =	vld [tilespmem:s28+$0x0]  }
0x14e: {  	s6 =	smul.u32 $0x81, s15;
	v6 =	vadd.s32 s4, v0;
	s4 =	sor.u32 s0, s30;
	v4 =	vld [tilespmem:s14+$0x0];
	s12 =	sadd.s32 s0, s12  }
0x14f: {  	s14 =	smul.u32 $0x81, s18;
	v14 =	vld [tilespmem:s4+$0x0];
	s4 =	sadd.s32 s0, s11;
	[tilespmem:v7+s21+$0x0] =	vst.idx.msk $0xffff, v5;
	s11 =	sor.u32 s0, s22;
	v15 =	vadd.s32 s12, v0  }
0x150: {  	s5 =	sor.u32 s0, s5;
	s6 =	sadd.s32 s0, s6;
	[tilespmem:v9+s21+$0x0] =	vst.idx.msk $0xffff, v8;
	v8 =	vadd.s32 s4, v0;
	s4 =	smul.u32 $0x81, s13;
	v18 =	vld [tilespmem:s11+$0x0]  }
0x151: {  	v19 =	vadd.s32 s6, v0;
	s12 =	sor.u32 s0, s31;
	s11 =	smul.u32 $0x81, s7;
	v16 =	vld [tilespmem:s5+$0x0];
	s5 =	sadd.s32 s0, s14  }
0x152: {  	s6 =	sor.u32 s0, s20;
	v20 =	vadd.s32 s5, v0;
	s5 =	sshll.u32 s10, $0x7;
	s10 =	smul.u32 $0x81, s10;
	[tilespmem:v12+s21+$0x0] =	vst.idx.msk $0xffff, v11  }
0x153: {  	s2 =	sadd.s32 s0, s2;
	s11 =	sadd.s32 s0, s11;
	s5 =	sor.u32 s0, s5;
	v7 =	vld [tilespmem:s8+$0x0]  }
.Ltmp8:
0x154: {  	v13 =	vadd.s32 s2, v0;
	v5 =	vadd.s32 s11, v0;
	v12 =	vld [tilespmem:s6+$0x0];
	s6 =	sadd.s32 s0, s9;
	s8 =	sadd.s32 s0, s10;
	[tilespmem:v15+s21+$0x0] =	vst.idx.msk $0xffff, v10;
	(pc) =	sbr.rel @p2 .LBB2_13-.Ltmp8, $4  }
0x155: {  	s2 =	smul.u32 $0x81, s3;
	s7 =	sshll.u32 s7, $0x7;
	s4 =	sadd.s32 s0, s4;
	[tilespmem:v8+s21+$0x0] =	vst.idx.msk $0xffff, v14;
	v11 =	vadd.s32 s6, v0;
	v8 =	vld [tilespmem:s5+$0x0];
	v10 =	vadd.s32 s8, v0  }
0x156: {  	s3 =	sshll.u32 s3, $0x7;
	v17 =	vadd.s32 s4, v0;
	s4 =	smul.u32 $0x81, s1;
	s5 =	sor.u32 s0, s7;
	v14 =	vld [tilespmem:s12+$0x0]  }
0x157: {  	s3 =	sor.u32 s0, s3;
	s2 =	sadd.s32 s0, s2;
	s1 =	sshll.u32 s1, $0x7;
	v9 =	vld [tilespmem:s5+$0x0];
	[tilespmem:v20+s21+$0x0] =	vst.idx.msk $0xffff, v16  }
0x158: {  	s26 =	simm.s32 $0x4080;
	s1 =	sor.u32 s0, s1;
	s0 =	sadd.s32 s0, s4;
	v16 =	vadd.s32 s2, v0;
	v15 =	vld [tilespmem:s3+$0x0];
	[tilespmem:v19+s21+$0x0] =	vst.idx.msk $0xffff, v18  }
0x159: {  	_ =	sdelay $0x3  }
0x15a: {  	[tilespmem:v13+s21+$0x0] =	vst.idx.msk $0xffff, v4  }
0x15b: {  	[tilespmem:v6+s21+$0x0] =	vst.idx.msk $0xffff, v12  }
0x15c: {  	[tilespmem:v3+s21+$0x0] =	vst.idx.msk $0xffff, v7  }
0x15d: {  	v4 =	vadd.s32 s0, v0;
	v6 =	vld [tilespmem:s1+$0x0];
	s14 =	simm.s32 $0x1833;
	[tilespmem:v11+s21+$0x0] =	vst.idx.msk $0xffff, v2  }
0x15e: {  	s15 =	simm.s32 $0x1023;
	v3 =	vadd.s32 s14, v1;
	[tilespmem:v10+s21+$0x0] =	vst.idx.msk $0xffff, v8  }
0x15f: {  	s16 =	simm.s32 $0x810;
	v7 =	vadd.s32 s15, v1;
	[tilespmem:v17+s21+$0x0] =	vst.idx.msk $0xffff, v14  }
0x160: {  	s23 =	simm.s32 $0x1021;
	v8 =	vadd.s32 s16, v1;
	[tilespmem:v5+s21+$0x0] =	vst.idx.msk $0xffff, v9  }
0x161: {  	s17 =	simm.s32 $0x1020;
	v10 =	vadd.s32 s23, v1;
	[tilespmem:v16+s21+$0x0] =	vst.idx.msk $0xffff, v15  }
0x162: {  	s18 =	simm.s32 $0x1830;
	[tilespmem:v4+s21+$0x0] =	vst.idx.msk $0xffff, v6;
	v4 =	vadd.s32 s17, v1  }
0x163: {  	s19 =	simm.s32 $0x1;
	v5 =	vadd.s32 s18, v1;
	v2 =	vld.idx.msk [tilespmem:v3+s21+$0x0], $0xffff  }
0x164: {  	s20 =	simm.s32 $0x0;
	v6 =	vadd.s32 s19, v1;
	v7 =	vld.idx.msk [tilespmem:v7+s21+$0x0], $0xffff  }
0x165: {  	s22 =	simm.s32 $0x811;
	v3 =	vadd.s32 s20, v1;
	v8 =	vld.idx.msk [tilespmem:v8+s21+$0x0], $0xffff  }
0x166: {  	s24 =	simm.s32 $0x1831;
	v9 =	vadd.s32 s22, v1;
	v10 =	vld.idx.msk [tilespmem:v10+s21+$0x0], $0xffff  }
0x167: {  	s25 =	simm.s32 $0x2;
	v60 =	vadd.s32 s24, v1;
	v4 =	vld.idx.msk [tilespmem:v4+s21+$0x0], $0xffff  }
0x168: {  	s28 =	simm.s32 $0x812;
	v61 =	vadd.s32 s25, v1;
	v5 =	vld.idx.msk [tilespmem:v5+s21+$0x0], $0xffff  }
0x169: {  	s29 =	simm.s32 $0x1022;
	v62 =	vadd.s32 s28, v1;
	v14 =	vld.idx.msk [tilespmem:v6+s21+$0x0], $0xffff  }
0x16a: {  	s30 =	simm.s32 $0x1832;
	v63 =	vadd.s32 s29, v1;
	v16 =	vld.idx.msk [tilespmem:v3+s21+$0x0], $0xffff;
	[tilespmem:s26+$0x60] =	vst v7  }
0x16b: {  	s31 =	simm.s32 $0x3;
	v11 =	vld.idx.msk [tilespmem:v9+s21+$0x0], $0xffff;
	v6 =	vadd.s32 s30, v1;
	[tilespmem:s26+$0xFFFFFF90] =	vst v8  }
0x16c: {  	s2 =	simm.s32 $0x813;
	v9 =	vld.idx.msk [tilespmem:v60+s21+$0x0], $0xffff;
	[tilespmem:s26+$0xFFFFFFA0] =	vst v4;
	v4 =	vadd.s32 s31, v1  }
0x16d: {  	v8 =	vld.idx.msk [tilespmem:v61+s21+$0x0], $0xffff;
	v3 =	vadd.s32 s2, v1;
	[tilespmem:s26+$0xFFFFFFB0] =	vst v5  }
0x16e: {  	v7 =	vld.idx.msk [tilespmem:v62+s21+$0x0], $0xffff;
	[tilespmem:s26+$0xFFFFFFC0] =	vst v14  }
0x16f: {  	s0 =	simm.s32 $0x0;
	s1 =	simm.s32 $0x1837;
	v5 =	vld.idx.msk [tilespmem:v63+s21+$0x0], $0xffff;
	[tilespmem:s26+$0xFFFFFF80] =	vst v16  }
.LBB2_15:
0x170: {  	s2 =	sadd.s32 $0xFFFFEFDD, s1;
	s3 =	sadd.s32 $0xFFFFF7F0, s1;
	v12 =	vadd.s32 s1, v1;
	s0 =	sadd.s32 $0x10, s0;
	[tilespmem:s26+$0xFFFFFFD0] =	vst v11;
	v11 =	vld.idx.msk [tilespmem:v6+s21+$0x0], $0xffff  }
0x171: {  	s4 =	sadd.s32 $0xFFFFFFFD, s1;
	v13 =	vadd.s32 s2, v1;
	s2 =	sadd.s32 $0xFFFFF7ED, s1;
	v14 =	vadd.s32 s3, v1;
	p2 =	slt.u32 s0, $0x1F0;
	[tilespmem:s26+$0xFFFFFFE0] =	vst v10;
	v10 =	vld.idx.msk [tilespmem:v4+s21+$0x0], $0xffff  }
0x172: {  	v16 =	vadd.s32 s4, v1;
	s3 =	sadd.s32 $0xFFFFEFDE, s1;
	s4 =	sadd.s32 $0xFFFFF7EE, s1;
	v15 =	vadd.s32 s2, v1;
	s2 =	sadd.s32 $0xFFFFE7CE, s1;
	[tilespmem:s26+$0xFFFFFFF0] =	vst v9;
	v9 =	vld.idx.msk [tilespmem:v3+s21+$0x0], $0xffff  }
0x173: {  	v18 =	vadd.s32 s3, v1;
	v19 =	vadd.s32 s4, v1;
	s3 =	sadd.s32 $0xFFFFE7CF, s1;
	s4 =	sadd.s32 $0xFFFFEFDF, s1;
	v17 =	vadd.s32 s2, v1;
	s2 =	sadd.s32 $0xFFFFFFFE, s1;
	[tilespmem:s26+$0x0] =	vst v8  }
0x174: {  	v20 =	vadd.s32 s3, v1;
	v21 =	vadd.s32 s4, v1;
	s3 =	sadd.s32 $0xFFFFFFFF, s1;
	s4 =	sadd.s32 $0xFFFFE7D0, s1;
	v8 =	vadd.s32 s2, v1;
	s2 =	sadd.s32 $0xFFFFF7EF, s1;
	[tilespmem:s26+$0x10] =	vst v7  }
0x175: {  	s5 =	sadd.s32 $0xFFFFE7CD, s1;
	v6 =	vadd.s32 s3, v1;
	v4 =	vadd.s32 s4, v1;
	v22 =	vadd.s32 s2, v1;
	s2 =	sadd.s32 $0xFFFFEFE0, s1;
	v7 =	vld.idx.msk [tilespmem:v12+s21+$0x0], $0xffff  }
0x176: {  	v12 =	vadd.s32 s5, v1;
	v3 =	vadd.s32 s2, v1;
	v14 =	vld.idx.msk [tilespmem:v14+s21+$0x0], $0xffff;
	[tilespmem:s26+$0x20] =	vst v5  }
0x177: {  	v5 =	vld.idx.msk [tilespmem:v13+s21+$0x0], $0xffff;
	[tilespmem:s26+$0x30] =	vst v11  }
0x178: {  	v13 =	vld.idx.msk [tilespmem:v15+s21+$0x0], $0xffff;
	[tilespmem:s26+$0x40] =	vst v10  }
0x179: {  	v15 =	vld.idx.msk [tilespmem:v16+s21+$0x0], $0xffff;
	[tilespmem:s26+$0x50] =	vst v9  }
0x17a: {  	v16 =	vld.idx.msk [tilespmem:v17+s21+$0x0], $0xffff;
	[tilespmem:s26+$0x70] =	vst v2  }
0x17b: {  	s26 =	sadd.s32 $0x100, s26;
	v2 =	vmov v7;
	v12 =	vld.idx.msk [tilespmem:v12+s21+$0x0], $0xffff  }
0x17c: {  	v11 =	vld.idx.msk [tilespmem:v18+s21+$0x0], $0xffff;
	[tilespmem:s26+$0x60] =	vst v14  }
.Ltmp9:
0x17d: {  	[tilespmem:s26+$0xFFFFFF90] =	vst v5;
	v10 =	vld.idx.msk [tilespmem:v19+s21+$0x0], $0xffff;
	(pc) =	sbr.rel @p2 .LBB2_15-.Ltmp9, $4  }
0x17e: {  	[tilespmem:s26+$0xFFFFFFA0] =	vst v13;
	v9 =	vld.idx.msk [tilespmem:v8+s21+$0x0], $0xffff  }
0x17f: {  	[tilespmem:s26+$0xFFFFFFB0] =	vst v15;
	v8 =	vld.idx.msk [tilespmem:v20+s21+$0x0], $0xffff  }
0x180: {  	[tilespmem:s26+$0xFFFFFFC0] =	vst v16;
	v7 =	vld.idx.msk [tilespmem:v21+s21+$0x0], $0xffff  }
0x181: {  	s1 =	sadd.s32 $0x4, s1;
	[tilespmem:s26+$0xFFFFFF80] =	vst v12;
	v5 =	vld.idx.msk [tilespmem:v22+s21+$0x0], $0xffff  }
0x182: {  	_ =	sdelay $0x1  }
0x183: {  	[tilespmem:s26+$0xFFFFFFD0] =	vst v11  }
0x184: {  	[tilespmem:s26+$0xFFFFFFE0] =	vst v10  }
0x185: {  	v6 =	vld.idx.msk [tilespmem:v6+s21+$0x0], $0xffff;
	[tilespmem:s26+$0x70] =	vst v2  }
0x186: {  	v4 =	vld.idx.msk [tilespmem:v4+s21+$0x0], $0xffff;
	[tilespmem:s26+$0xFFFFFFF0] =	vst v9  }
0x187: {  	v3 =	vld.idx.msk [tilespmem:v3+s21+$0x0], $0xffff;
	[tilespmem:s26+$0x0] =	vst v8  }
0x188: {  	[tilespmem:s26+$0x10] =	vst v7  }
0x189: {  	[tilespmem:s26+$0x20] =	vst v5  }
0x18a: {  	[tilespmem:s26+$0x30] =	vst v6  }
.Ltmp10:
0x18b: {  	[tilespmem:s26+$0x40] =	vst v4;
	(pc) =	sbr.rel .LBB2_17-.Ltmp10, $4  }
0x18c: {  	[tilespmem:s26+$0x50] =	vst v3  }
0x18d: {  	s1 =	rddreg [dreg:$0xa]  }
0x18e: {  	s0 =	simm.s32 $0x0;
	s2 =	simm.s32 $0x4000;
	s4 =	rddreg [dreg:$0xe]  }
0x18f: {  	[hbm4b:s1+s0] =	stream.linear.scatter [tilespmem:s2], [sflag:$0x3], $0x2000, $0x38;
	[tilespmem:$0xA080] =	vst v63  }
.LBB2_18:
0x190: {  	_ =	sfence.sel $0x180000  }
0x191: {  	[bflag:$0x0] =	sbarrier.arrive $0xFFFF  }
0x192: {  	_ =	strace $0x90000047  }
0x193: {  	s0 =	stileid.u32;
	[bflag:$0x2] =	sbarrier.arrive $0xFFFF  }
0x194: {  	p0 =	sne.s32 s0, $0x0;
	s0 =	rddreg [dreg:$0x3]  }
0x195: {  	s0 =	sadd.s32 @!p0 $0x100000, s0  }
0x196: {  	[sflag:s0] =	ssyncadd.tile.s32 @!p0 $0x1;
	_ =	shalt  }
.Lfunc_end2:
_tile_overlayer_lowered:
.L_overlay_start_2:
0x197: {  	(tag) =	ssettag $0x2  }
0x198: {  	s0 =	rddreg [dreg:$0x0];
	s2 =	stileid.u32  }
0x199: {  	s1 =	rddreg [dreg:$0x1];
	p0 =	sne.s32 s2, $0x0  }
0x19a: {  	s3 =	rddreg [dreg:$0x2];
	[bflag:$0x3] =	sbarrier.arrive $0xFFFF;
	s2 =	simm.s32 @!p0 $0x1C05  }
0x19b: {  	[timem:s3], [sflag:s2] =	dma.local @!p0 [hbm:s0], s1  }
0x19c: {  	s0 =	simm.s32 @!p0 $0x5  }
0x19d: {  	_ =	swait.ge @!p0 [sflag:s0], s1  }
0x19e: {  	s1 =	ssub.s32 @!p0 $0x0, s1;
	[sflag:s0] =	ssyncset.done @!p0 $0x0  }
0x19f: {  	[sflag:s0] =	ssyncadd.s32 @!p0 s1  }
0x1a0: {  	[bflag:$0x3] =	sbarrier.arrive $0xFFFF  }
0x1a1: {  	_ =	shalt  }

</sc_bundles>
